<compile_context>
chip_gen: v7x
topology: tpu7x:2x2x1
jax: 0.10.2.dev20260603
libtpu: 0.0.44.dev20260713+nightly
codegen_flags: <defaults>
</compile_context>

<pallas_src>
import functools

import jax
import jax.numpy as jnp
from jax import lax
from jax.experimental import pallas as pl
from jax.experimental.pallas import tpu as pltpu
from jax.experimental.pallas import tpu_sc as plsc

N = 10000
E = 320000
NC, NS = 2, 16
NW = NC * NS
CHUNKS = 80
EC = 125
RPT = N // NS
DW = 8
D1 = 16
D2P = 40
RB = 2000
NBUF = 5


def _make_deg_kernel():
    mesh = plsc.VectorSubcoreMesh(core_axis_name="c", subcore_axis_name="s")

    @functools.partial(
        pl.kernel, mesh=mesh,
        out_type=jax.ShapeDtypeStruct((NC, N, DW), jnp.float32),
        compiler_params=pltpu.CompilerParams(use_tc_tiling_on_sc=False),
        scratch_types=[
            pltpu.VMEM((CHUNKS, EC), jnp.int32),
            pltpu.VMEM((EC, DW), jnp.float32),
            pltpu.VMEM_SHARED((N, DW), jnp.float32),
        ],
    )
    def k(er_hbm, ones_hbm, zeros_hbm, out_hbm, dst_v, obuf, acc):
        cid = lax.axis_index("c")
        sid = lax.axis_index("s")
        wid = sid * NC + cid

        r0 = sid * RPT
        pltpu.sync_copy(zeros_hbm, acc.at[pl.ds(r0, RPT), :])
        pltpu.sync_copy(ones_hbm, obuf)
        pltpu.sync_copy(er_hbm.at[1, wid], dst_v)
        plsc.subcore_barrier()

        def body(j, _):
            pltpu.sync_copy(obuf, acc.at[dst_v.at[j]], add=True)
            return 0
        lax.fori_loop(0, CHUNKS, body, 0)

        plsc.subcore_barrier()
        pltpu.sync_copy(acc.at[pl.ds(r0, RPT), :],
                        out_hbm.at[cid, pl.ds(r0, RPT), :])

    return k


def _make_msg_kernel(D):
    mesh = plsc.VectorSubcoreMesh(core_axis_name="c", subcore_axis_name="s")

    @functools.partial(
        pl.kernel, mesh=mesh,
        out_type=jax.ShapeDtypeStruct((NC, N, D), jnp.float32),
        compiler_params=pltpu.CompilerParams(use_tc_tiling_on_sc=False),
        scratch_types=[
            pltpu.VMEM((CHUNKS, EC), jnp.int32),
            pltpu.VMEM((CHUNKS, EC), jnp.int32),
            [pltpu.VMEM((EC, D), jnp.float32) for _ in range(NBUF)],
            [pltpu.SemaphoreType.DMA for _ in range(NBUF)],
            pltpu.VMEM((RPT, D), jnp.float32),
            pltpu.SemaphoreType.DMA,
            pltpu.VMEM_SHARED((N, D), jnp.float32),
            pltpu.VMEM_SHARED((N, D), jnp.float32),
        ],
    )
    def k(table_hbm, er_hbm, zeros_hbm, out_hbm, src_v, dst_v,
          gbufs, sems, stage_v, sem_s, table_sh, acc):
        cid = lax.axis_index("c")
        sid = lax.axis_index("s")
        wid = sid * NC + cid
        r0 = sid * RPT

        pltpu.async_copy(table_hbm.at[pl.ds(r0, RPT), :], stage_v, sem_s)
        pltpu.sync_copy(zeros_hbm, acc.at[pl.ds(r0, RPT), :])
        pltpu.sync_copy(er_hbm.at[0, wid], src_v)
        pltpu.sync_copy(er_hbm.at[1, wid], dst_v)
        pltpu.make_async_copy(
            table_hbm.at[pl.ds(r0, RPT), :], stage_v, sem_s).wait()
        pltpu.sync_copy(stage_v, table_sh.at[pl.ds(r0, RPT), :])
        plsc.subcore_barrier()

        for b in range(NBUF):
            pltpu.async_copy(table_sh.at[src_v.at[b]], gbufs[b], sems[b])

        def group(g, _):
            base = g * NBUF
            for b in range(NBUF):
                j = base + b
                pltpu.make_async_copy(
                    table_sh.at[src_v.at[j]], gbufs[b], sems[b]).wait()
                pltpu.sync_copy(gbufs[b], acc.at[dst_v.at[j]], add=True)
                jn = j + NBUF

                @pl.when(jn < CHUNKS)
                def _():
                    pltpu.async_copy(
                        table_sh.at[src_v.at[jn]], gbufs[b], sems[b])
            return 0
        lax.fori_loop(0, CHUNKS // NBUF, group, 0)

        plsc.subcore_barrier()
        pltpu.sync_copy(acc.at[pl.ds(r0, RPT), :],
                        out_hbm.at[cid, pl.ds(r0, RPT), :])

    return k


_deg_kernel = _make_deg_kernel()
_msg16 = _make_msg_kernel(D1)
_msg48 = _make_msg_kernel(D2P)


def _mm1_body(x_ref, w_ref, dp0_ref, dp1_ref, hs_ref, dinv_ref):
    deg = dp0_ref[0, :, 0:1] + dp1_ref[0, :, 0:1] + 1.0
    dinv = lax.rsqrt(deg)
    dinv_ref[...] = dinv
    h = jnp.dot(x_ref[...], w_ref[...], preferred_element_type=jnp.float32)
    hs_ref[...] = h * dinv


def _mm1(x, W1, degp):
    return pl.pallas_call(
        _mm1_body,
        grid=(N // RB,),
        in_specs=[
            pl.BlockSpec((RB, 128), lambda i: (i, 0)),
            pl.BlockSpec((128, D1), lambda i: (0, 0)),
            pl.BlockSpec((1, RB, DW), lambda i: (0, i, 0)),
            pl.BlockSpec((1, RB, DW), lambda i: (1, i, 0)),
        ],
        out_specs=[
            pl.BlockSpec((RB, D1), lambda i: (i, 0)),
            pl.BlockSpec((RB, 1), lambda i: (i, 0)),
        ],
        out_shape=[
            jax.ShapeDtypeStruct((N, D1), jnp.float32),
            jax.ShapeDtypeStruct((N, 1), jnp.float32),
        ],
    )(x, W1, degp, degp)


def _comb1_body(a0_ref, a1_ref, hs_ref, dinv_ref, b1_ref, w2_ref, hs2_ref):
    dinv = dinv_ref[...]
    s = (a0_ref[0] + a1_ref[0] + hs_ref[...]) * dinv + b1_ref[...]
    o1 = jnp.maximum(s, 0.0)
    hs2_ref[...] = jnp.dot(
        o1, w2_ref[...], preferred_element_type=jnp.float32) * dinv


def _comb1(acc1, hs1, dinv, b1r, W2):
    return pl.pallas_call(
        _comb1_body,
        grid=(N // RB,),
        in_specs=[
            pl.BlockSpec((1, RB, D1), lambda i: (0, i, 0)),
            pl.BlockSpec((1, RB, D1), lambda i: (1, i, 0)),
            pl.BlockSpec((RB, D1), lambda i: (i, 0)),
            pl.BlockSpec((RB, 1), lambda i: (i, 0)),
            pl.BlockSpec((1, D1), lambda i: (0, 0)),
            pl.BlockSpec((D1, D2P), lambda i: (0, 0)),
        ],
        out_specs=pl.BlockSpec((RB, D2P), lambda i: (i, 0)),
        out_shape=jax.ShapeDtypeStruct((N, D2P), jnp.float32),
    )(acc1, acc1, hs1, dinv, b1r, W2)


def _final_body(a0_ref, a1_ref, hs_ref, dinv_ref, b2_ref, out_ref):
    z = (a0_ref[0] + a1_ref[0] + hs_ref[...]) * dinv_ref[...] + b2_ref[...]
    m = jnp.max(z, axis=1, keepdims=True)
    lse = jnp.log(jnp.sum(jnp.exp(z - m), axis=1, keepdims=True))
    out_ref[...] = z - m - lse


def _final(acc2, hs2, dinv, b2r):
    return pl.pallas_call(
        _final_body,
        grid=(N // RB,),
        in_specs=[
            pl.BlockSpec((1, RB, D2P), lambda i: (0, i, 0)),
            pl.BlockSpec((1, RB, D2P), lambda i: (1, i, 0)),
            pl.BlockSpec((RB, D2P), lambda i: (i, 0)),
            pl.BlockSpec((RB, 1), lambda i: (i, 0)),
            pl.BlockSpec((1, D2P), lambda i: (0, 0)),
        ],
        out_specs=pl.BlockSpec((RB, D2P), lambda i: (i, 0)),
        out_shape=jax.ShapeDtypeStruct((N, D2P), jnp.float32),
    )(acc2, acc2, hs2, dinv, b2r)


def kernel(x, edge_index, W1, b1, W2, b2):
    er = jnp.asarray(edge_index, jnp.int32).reshape(2, NW, CHUNKS, EC)
    b1r = b1.reshape(1, D1)
    b2r = b2.reshape(1, D2P)
    z16 = jnp.zeros((RPT, D1), jnp.float32)
    z40 = jnp.zeros((RPT, D2P), jnp.float32)

    ones8 = jnp.ones((EC, DW), jnp.float32)
    z8 = jnp.zeros((RPT, DW), jnp.float32)
    degp = _deg_kernel(er, ones8, z8)
    hs1, dinv = _mm1(x, W1, degp)
    acc1 = _msg16(hs1, er, z16)
    hs2 = _comb1(acc1, hs1, dinv, b1r, W2)
    acc2 = _msg48(hs2, er, z40)
    return _final(acc2, hs2, dinv, b2r)

# --- scband reference (transcript-rebuilt; emitter-appended) ---
"""Pipeline reference for scband-net-47450798686653 (READ-ONLY COPY).

The authoritative reference and input builder live on the scoring server;
editing this copy changes nothing except your own understanding.
"""

import jax, jax.numpy as jnp
import numpy as np

N_NODES = 10000
N_EDGES = 320000
D_FEAT = 128
D_HID = 16
N_CLASSES = 40


def gcn_conv(x, src, dst, W, b, num_nodes):
    # GCNConv with add_self_loops=True, normalize=True (symmetric norm), bias
    loop = jnp.arange(num_nodes, dtype=src.dtype)
    src_a = jnp.concatenate([src, loop])
    dst_a = jnp.concatenate([dst, loop])
    # degree computed over target nodes (col) with unit edge weights
    deg = jnp.zeros((num_nodes,), dtype=x.dtype).at[dst_a].add(1.0)
    deg_inv_sqrt = jnp.where(deg > 0, deg ** -0.5, 0.0)
    norm = deg_inv_sqrt[src_a] * deg_inv_sqrt[dst_a]
    h = x @ W
    msg = h[src_a] * norm[:, None]
    out = jnp.zeros((num_nodes, h.shape[1]), dtype=h.dtype).at[dst_a].add(msg)
    return out + b


def setup_inputs(seed: int = 0) -> dict:
    key = jax.random.key(seed)
    k1, k2, k3, k4, k5, k6 = jax.random.split(key, 6)
    x = jax.random.normal(k1, (N_NODES, D_FEAT), dtype=jnp.float32)
    edge_index = jax.random.randint(k2, (2, N_EDGES), 0, N_NODES, dtype=jnp.int64 if jax.config.read('jax_enable_x64') else jnp.int32)
    # glorot-style init for weights
    W1 = jax.random.normal(k3, (D_FEAT, D_HID), dtype=jnp.float32) * (1.0 / np.sqrt(D_FEAT))
    b1 = jnp.zeros((D_HID,), dtype=jnp.float32)
    W2 = jax.random.normal(k4, (D_HID, N_CLASSES), dtype=jnp.float32) * (1.0 / np.sqrt(D_HID))
    b2 = jnp.zeros((N_CLASSES,), dtype=jnp.float32)
    return {"x": x, "edge_index": edge_index, "W1": W1, "b1": b1, "W2": W2, "b2": b2}


def reference(x, edge_index, W1, b1, W2, b2):
    src = edge_index[0]
    dst = edge_index[1]
    h = gcn_conv(x, src, dst, W1, b1, N_NODES)
    h = jax.nn.relu(h)
    # dropout is identity in eval mode
    h = gcn_conv(h, src, dst, W2, b2, N_NODES)
    return jax.nn.log_softmax(h, axis=1)

if __name__ == "__main__":
    import jax
    _d = setup_inputs()
    print(jax.jit(kernel)(*tuple(_d.values())))

</pallas_src>

<mosaic_0001>
#map = affine_map<(d0, d1) -> (0, 0)>
#map1 = affine_map<(d0, d1) -> (0, 0, 0, 0)>
#map2 = affine_map<(d0, d1) -> (0, 0, 0)>
module attributes {stable_mosaic.version = 14 : i64} {
  func.func @k(%arg0: i32, %arg1: i32, %arg2: memref<10000x16xf32, #tpu.memory_space<hbm>>, %arg3: memref<2x32x80x125xi32, #tpu.memory_space<hbm>>, %arg4: memref<625x16xf32, #tpu.memory_space<hbm>>, %arg5: memref<2x10000x16xf32, #tpu.memory_space<hbm>>, %arg6: memref<80x125xi32, #tpu.memory_space<vmem>>, %arg7: memref<80x125xi32, #tpu.memory_space<vmem>>, %arg8: memref<125x16xf32, #tpu.memory_space<vmem>>, %arg9: memref<125x16xf32, #tpu.memory_space<vmem>>, %arg10: memref<125x16xf32, #tpu.memory_space<vmem>>, %arg11: memref<125x16xf32, #tpu.memory_space<vmem>>, %arg12: memref<125x16xf32, #tpu.memory_space<vmem>>, %arg13: memref<!tpu.dma_semaphore, #tpu.memory_space<semaphore_mem>>, %arg14: memref<!tpu.dma_semaphore, #tpu.memory_space<semaphore_mem>>, %arg15: memref<!tpu.dma_semaphore, #tpu.memory_space<semaphore_mem>>, %arg16: memref<!tpu.dma_semaphore, #tpu.memory_space<semaphore_mem>>, %arg17: memref<!tpu.dma_semaphore, #tpu.memory_space<semaphore_mem>>, %arg18: memref<625x16xf32, #tpu.memory_space<vmem>>, %arg19: memref<!tpu.dma_semaphore, #tpu.memory_space<semaphore_mem>>, %arg20: memref<10000x16xf32, #tpu.memory_space<vmem_shared>>, %arg21: memref<10000x16xf32, #tpu.memory_space<vmem_shared>>) attributes {dimension_semantics = [#tpu.dimension_semantics<core_parallel>, #tpu.dimension_semantics<subcore_parallel>], iteration_bounds = array<i64: 2, 16>, scalar_prefetch = 0 : i64, scratch_operands = 16 : i64, tpu.core_type = #tpu.core_type<sc_vector_subcore>, window_params = [{transform_indices = #map}, {transform_indices = #map1}, {transform_indices = #map}, {transform_indices = #map2}]} {
    %mul3A = arith.constant 2 : i32
    %mul3A_0 = arith.muli %arg1, %mul3A : i32
    %add3A = arith.addi %mul3A_0, %arg0 : i32
    %mul3A_1 = arith.constant 625 : i32
    %mul3A_2 = arith.muli %arg1, %mul3A_1 : i32
    %dma_start3A = arith.constant 0 : i32
    %dma_start3A_3 = tpu.memref_slice %arg2[%mul3A_2, %dma_start3A] : memref<10000x16xf32, #tpu.memory_space<hbm>> -> memref<625x16xf32, #tpu.memory_space<hbm>>
    %dma_start3A_4 = arith.constant 0 : i32
    %dma_start3A_5 = tpu.memref_slice %arg2[%mul3A_2, %dma_start3A_4] : memref<10000x16xf32, #tpu.memory_space<hbm>> -> memref<625x16xf32, #tpu.memory_space<hbm>>
    tpu.enqueue_dma source(%dma_start3A_5 : memref<625x16xf32, #tpu.memory_space<hbm>>) target(%arg18 : memref<625x16xf32, #tpu.memory_space<vmem>>) target_semaphore(%arg19 : memref<!tpu.dma_semaphore, #tpu.memory_space<semaphore_mem>>)
    "tpu.region"() ({
      %run_scoped3A_52 = tpu.sem_alloc : memref<!tpu.dma_semaphore, #tpu.memory_space<semaphore_mem>>
      %dma_start3A_53 = arith.constant 0 : i32
      %dma_start3A_54 = tpu.memref_slice %arg21[%mul3A_2, %dma_start3A_53] : memref<10000x16xf32, #tpu.memory_space<vmem_shared>> -> memref<625x16xf32, #tpu.memory_space<vmem_shared>>
      tpu.enqueue_dma source(%arg4 : memref<625x16xf32, #tpu.memory_space<hbm>>) target(%dma_start3A_54 : memref<625x16xf32, #tpu.memory_space<vmem_shared>>) target_semaphore(%run_scoped3A_52 : memref<!tpu.dma_semaphore, #tpu.memory_space<semaphore_mem>>)
      %dma_wait3A_55 = arith.constant 0 : i32
      %dma_wait3A_56 = tpu.memref_slice %arg21[%mul3A_2, %dma_wait3A_55] : memref<10000x16xf32, #tpu.memory_space<vmem_shared>> -> memref<625x16xf32, #tpu.memory_space<vmem_shared>>
      tpu.wait_dma2 semaphore(%run_scoped3A_52 : memref<!tpu.dma_semaphore, #tpu.memory_space<semaphore_mem>>) src(%arg4 : memref<625x16xf32, #tpu.memory_space<hbm>>) dst(%dma_wait3A_56 : memref<625x16xf32, #tpu.memory_space<vmem_shared>>)
      tpu.yield
    }) : () -> ()
    %run_scoped3A = arith.constant 0 : i32
    "tpu.region"() ({
      %run_scoped3A_52 = tpu.sem_alloc : memref<!tpu.dma_semaphore, #tpu.memory_space<semaphore_mem>>
      %dma_start3A_53 = arith.constant 0 : i32
      %dma_start3A_54 = arith.constant 0 : i32
      %dma_start3A_55 = tpu.memref_slice %arg3[%run_scoped3A, %add3A, %dma_start3A_53, %dma_start3A_54] : memref<2x32x80x125xi32, #tpu.memory_space<hbm>> -> memref<1x1x80x125xi32, #tpu.memory_space<hbm>>
      %dma_start3A_56 = tpu.memref_squeeze %dma_start3A_55 : memref<1x1x80x125xi32, #tpu.memory_space<hbm>> -> memref<80x125xi32, #tpu.memory_space<hbm>>
      %dma_start3A_57 = arith.constant 0 : i32
      %dma_start3A_58 = arith.constant 0 : i32
      %dma_start3A_59 = tpu.memref_slice %arg3[%run_scoped3A, %add3A, %dma_start3A_57, %dma_start3A_58] : memref<2x32x80x125xi32, #tpu.memory_space<hbm>> -> memref<1x1x80x125xi32, #tpu.memory_space<hbm>>
      %dma_start3A_60 = tpu.memref_squeeze %dma_start3A_59 : memref<1x1x80x125xi32, #tpu.memory_space<hbm>> -> memref<80x125xi32, #tpu.memory_space<hbm>>
      tpu.enqueue_dma source(%dma_start3A_60 : memref<80x125xi32, #tpu.memory_space<hbm>>) target(%arg6 : memref<80x125xi32, #tpu.memory_space<vmem>>) target_semaphore(%run_scoped3A_52 : memref<!tpu.dma_semaphore, #tpu.memory_space<semaphore_mem>>)
      %dma_wait3A_61 = arith.constant 0 : i32
      %dma_wait3A_62 = arith.constant 0 : i32
      %dma_wait3A_63 = tpu.memref_slice %arg3[%run_scoped3A, %add3A, %dma_wait3A_61, %dma_wait3A_62] : memref<2x32x80x125xi32, #tpu.memory_space<hbm>> -> memref<1x1x80x125xi32, #tpu.memory_space<hbm>>
      %dma_wait3A_64 = tpu.memref_squeeze %dma_wait3A_63 : memref<1x1x80x125xi32, #tpu.memory_space<hbm>> -> memref<80x125xi32, #tpu.memory_space<hbm>>
      %dma_wait3A_65 = arith.constant 0 : i32
      %dma_wait3A_66 = arith.constant 0 : i32
      %dma_wait3A_67 = tpu.memref_slice %arg3[%run_scoped3A, %add3A, %dma_wait3A_65, %dma_wait3A_66] : memref<2x32x80x125xi32, #tpu.memory_space<hbm>> -> memref<1x1x80x125xi32, #tpu.memory_space<hbm>>
      %dma_wait3A_68 = tpu.memref_squeeze %dma_wait3A_67 : memref<1x1x80x125xi32, #tpu.memory_space<hbm>> -> memref<80x125xi32, #tpu.memory_space<hbm>>
      tpu.wait_dma2 semaphore(%run_scoped3A_52 : memref<!tpu.dma_semaphore, #tpu.memory_space<semaphore_mem>>) src(%dma_wait3A_68 : memref<80x125xi32, #tpu.memory_space<hbm>>) dst(%arg6 : memref<80x125xi32, #tpu.memory_space<vmem>>)
      tpu.yield
    }) : () -> ()
    %run_scoped3A_6 = arith.constant 1 : i32
    "tpu.region"() ({
      %run_scoped3A_52 = tpu.sem_alloc : memref<!tpu.dma_semaphore, #tpu.memory_space<semaphore_mem>>
      %dma_start3A_53 = arith.constant 0 : i32
      %dma_start3A_54 = arith.constant 0 : i32
      %dma_start3A_55 = tpu.memref_slice %arg3[%run_scoped3A_6, %add3A, %dma_start3A_53, %dma_start3A_54] : memref<2x32x80x125xi32, #tpu.memory_space<hbm>> -> memref<1x1x80x125xi32, #tpu.memory_space<hbm>>
      %dma_start3A_56 = tpu.memref_squeeze %dma_start3A_55 : memref<1x1x80x125xi32, #tpu.memory_space<hbm>> -> memref<80x125xi32, #tpu.memory_space<hbm>>
      %dma_start3A_57 = arith.constant 0 : i32
      %dma_start3A_58 = arith.constant 0 : i32
      %dma_start3A_59 = tpu.memref_slice %arg3[%run_scoped3A_6, %add3A, %dma_start3A_57, %dma_start3A_58] : memref<2x32x80x125xi32, #tpu.memory_space<hbm>> -> memref<1x1x80x125xi32, #tpu.memory_space<hbm>>
      %dma_start3A_60 = tpu.memref_squeeze %dma_start3A_59 : memref<1x1x80x125xi32, #tpu.memory_space<hbm>> -> memref<80x125xi32, #tpu.memory_space<hbm>>
      tpu.enqueue_dma source(%dma_start3A_60 : memref<80x125xi32, #tpu.memory_space<hbm>>) target(%arg7 : memref<80x125xi32, #tpu.memory_space<vmem>>) target_semaphore(%run_scoped3A_52 : memref<!tpu.dma_semaphore, #tpu.memory_space<semaphore_mem>>)
      %dma_wait3A_61 = arith.constant 0 : i32
      %dma_wait3A_62 = arith.constant 0 : i32
      %dma_wait3A_63 = tpu.memref_slice %arg3[%run_scoped3A_6, %add3A, %dma_wait3A_61, %dma_wait3A_62] : memref<2x32x80x125xi32, #tpu.memory_space<hbm>> -> memref<1x1x80x125xi32, #tpu.memory_space<hbm>>
      %dma_wait3A_64 = tpu.memref_squeeze %dma_wait3A_63 : memref<1x1x80x125xi32, #tpu.memory_space<hbm>> -> memref<80x125xi32, #tpu.memory_space<hbm>>
      %dma_wait3A_65 = arith.constant 0 : i32
      %dma_wait3A_66 = arith.constant 0 : i32
      %dma_wait3A_67 = tpu.memref_slice %arg3[%run_scoped3A_6, %add3A, %dma_wait3A_65, %dma_wait3A_66] : memref<2x32x80x125xi32, #tpu.memory_space<hbm>> -> memref<1x1x80x125xi32, #tpu.memory_space<hbm>>
      %dma_wait3A_68 = tpu.memref_squeeze %dma_wait3A_67 : memref<1x1x80x125xi32, #tpu.memory_space<hbm>> -> memref<80x125xi32, #tpu.memory_space<hbm>>
      tpu.wait_dma2 semaphore(%run_scoped3A_52 : memref<!tpu.dma_semaphore, #tpu.memory_space<semaphore_mem>>) src(%dma_wait3A_68 : memref<80x125xi32, #tpu.memory_space<hbm>>) dst(%arg7 : memref<80x125xi32, #tpu.memory_space<vmem>>)
      tpu.yield
    }) : () -> ()
    %dma_wait3A = arith.constant 0 : i32
    %dma_wait3A_7 = tpu.memref_slice %arg2[%mul3A_2, %dma_wait3A] : memref<10000x16xf32, #tpu.memory_space<hbm>> -> memref<625x16xf32, #tpu.memory_space<hbm>>
    %dma_wait3A_8 = arith.constant 0 : i32
    %dma_wait3A_9 = tpu.memref_slice %arg2[%mul3A_2, %dma_wait3A_8] : memref<10000x16xf32, #tpu.memory_space<hbm>> -> memref<625x16xf32, #tpu.memory_space<hbm>>
    tpu.wait_dma2 semaphore(%arg19 : memref<!tpu.dma_semaphore, #tpu.memory_space<semaphore_mem>>) src(%dma_wait3A_9 : memref<625x16xf32, #tpu.memory_space<hbm>>) dst(%arg18 : memref<625x16xf32, #tpu.memory_space<vmem>>)
    "tpu.region"() ({
      %run_scoped3A_52 = tpu.sem_alloc : memref<!tpu.dma_semaphore, #tpu.memory_space<semaphore_mem>>
      %dma_start3A_53 = arith.constant 0 : i32
      %dma_start3A_54 = tpu.memref_slice %arg20[%mul3A_2, %dma_start3A_53] : memref<10000x16xf32, #tpu.memory_space<vmem_shared>> -> memref<625x16xf32, #tpu.memory_space<vmem_shared>>
      %dma_start3A_55 = arith.constant 0 : i32
      %dma_start3A_56 = tpu.memref_slice %arg20[%mul3A_2, %dma_start3A_55] : memref<10000x16xf32, #tpu.memory_space<vmem_shared>> -> memref<625x16xf32, #tpu.memory_space<vmem_shared>>
      tpu.enqueue_dma source(%arg18 : memref<625x16xf32, #tpu.memory_space<vmem>>) target(%dma_start3A_56 : memref<625x16xf32, #tpu.memory_space<vmem_shared>>) target_semaphore(%run_scoped3A_52 : memref<!tpu.dma_semaphore, #tpu.memory_space<semaphore_mem>>)
      %dma_wait3A_57 = arith.constant 0 : i32
      %dma_wait3A_58 = tpu.memref_slice %arg20[%mul3A_2, %dma_wait3A_57] : memref<10000x16xf32, #tpu.memory_space<vmem_shared>> -> memref<625x16xf32, #tpu.memory_space<vmem_shared>>
      %dma_wait3A_59 = arith.constant 0 : i32
      %dma_wait3A_60 = tpu.memref_slice %arg20[%mul3A_2, %dma_wait3A_59] : memref<10000x16xf32, #tpu.memory_space<vmem_shared>> -> memref<625x16xf32, #tpu.memory_space<vmem_shared>>
      tpu.wait_dma2 semaphore(%run_scoped3A_52 : memref<!tpu.dma_semaphore, #tpu.memory_space<semaphore_mem>>) src(%arg18 : memref<625x16xf32, #tpu.memory_space<vmem>>) dst(%dma_wait3A_60 : memref<625x16xf32, #tpu.memory_space<vmem_shared>>)
      tpu.yield
    }) : () -> ()
    %barrier3A = arith.constant 0 : index
    tpu.barrier barrier_id(%barrier3A)
    %dma_start3A_10 = arith.constant 0 : i32
    %dma_start3A_11 = arith.constant 0 : i32
    %dma_start3A_12 = tpu.memref_slice %arg6[%dma_start3A_10, %dma_start3A_11] : memref<80x125xi32, #tpu.memory_space<vmem>> -> memref<1x125xi32, #tpu.memory_space<vmem>>
    %dma_start3A_13 = tpu.memref_squeeze %dma_start3A_12 : memref<1x125xi32, #tpu.memory_space<vmem>> -> memref<125xi32, #tpu.memory_space<vmem>>
    %dma_start3A_14 = arith.constant 0 : i32
    %dma_start3A_15 = arith.constant 0 : i32
    %dma_start3A_16 = tpu.memref_slice %arg20[%dma_start3A_14, %dma_start3A_15] : memref<10000x16xf32, #tpu.memory_space<vmem_shared>> -> memref<10000x16xf32, #tpu.memory_space<vmem_shared>>
    tpu.enqueue_indirect_dma source(%dma_start3A_16 : memref<10000x16xf32, #tpu.memory_space<vmem_shared>>) target(%arg8 : memref<125x16xf32, #tpu.memory_space<vmem>>) offsets(%dma_start3A_13 : memref<125xi32, #tpu.memory_space<vmem>>) semaphore(%arg13 : memref<!tpu.dma_semaphore, #tpu.memory_space<semaphore_mem>>)
    %dma_start3A_17 = arith.constant 1 : i32
    %dma_start3A_18 = arith.constant 0 : i32
    %dma_start3A_19 = tpu.memref_slice %arg6[%dma_start3A_17, %dma_start3A_18] : memref<80x125xi32, #tpu.memory_space<vmem>> -> memref<1x125xi32, #tpu.memory_space<vmem>>
    %dma_start3A_20 = tpu.memref_squeeze %dma_start3A_19 : memref<1x125xi32, #tpu.memory_space<vmem>> -> memref<125xi32, #tpu.memory_space<vmem>>
    %dma_start3A_21 = arith.constant 0 : i32
    %dma_start3A_22 = arith.constant 0 : i32
    %dma_start3A_23 = tpu.memref_slice %arg20[%dma_start3A_21, %dma_start3A_22] : memref<10000x16xf32, #tpu.memory_space<vmem_shared>> -> memref<10000x16xf32, #tpu.memory_space<vmem_shared>>
    tpu.enqueue_indirect_dma source(%dma_start3A_23 : memref<10000x16xf32, #tpu.memory_space<vmem_shared>>) target(%arg9 : memref<125x16xf32, #tpu.memory_space<vmem>>) offsets(%dma_start3A_20 : memref<125xi32, #tpu.memory_space<vmem>>) semaphore(%arg14 : memref<!tpu.dma_semaphore, #tpu.memory_space<semaphore_mem>>)
    %dma_start3A_24 = arith.constant 2 : i32
    %dma_start3A_25 = arith.constant 0 : i32
    %dma_start3A_26 = tpu.memref_slice %arg6[%dma_start3A_24, %dma_start3A_25] : memref<80x125xi32, #tpu.memory_space<vmem>> -> memref<1x125xi32, #tpu.memory_space<vmem>>
    %dma_start3A_27 = tpu.memref_squeeze %dma_start3A_26 : memref<1x125xi32, #tpu.memory_space<vmem>> -> memref<125xi32, #tpu.memory_space<vmem>>
    %dma_start3A_28 = arith.constant 0 : i32
    %dma_start3A_29 = arith.constant 0 : i32
    %dma_start3A_30 = tpu.memref_slice %arg20[%dma_start3A_28, %dma_start3A_29] : memref<10000x16xf32, #tpu.memory_space<vmem_shared>> -> memref<10000x16xf32, #tpu.memory_space<vmem_shared>>
    tpu.enqueue_indirect_dma source(%dma_start3A_30 : memref<10000x16xf32, #tpu.memory_space<vmem_shared>>) target(%arg10 : memref<125x16xf32, #tpu.memory_space<vmem>>) offsets(%dma_start3A_27 : memref<125xi32, #tpu.memory_space<vmem>>) semaphore(%arg15 : memref<!tpu.dma_semaphore, #tpu.memory_space<semaphore_mem>>)
    %dma_start3A_31 = arith.constant 3 : i32
    %dma_start3A_32 = arith.constant 0 : i32
    %dma_start3A_33 = tpu.memref_slice %arg6[%dma_start3A_31, %dma_start3A_32] : memref<80x125xi32, #tpu.memory_space<vmem>> -> memref<1x125xi32, #tpu.memory_space<vmem>>
    %dma_start3A_34 = tpu.memref_squeeze %dma_start3A_33 : memref<1x125xi32, #tpu.memory_space<vmem>> -> memref<125xi32, #tpu.memory_space<vmem>>
    %dma_start3A_35 = arith.constant 0 : i32
    %dma_start3A_36 = arith.constant 0 : i32
    %dma_start3A_37 = tpu.memref_slice %arg20[%dma_start3A_35, %dma_start3A_36] : memref<10000x16xf32, #tpu.memory_space<vmem_shared>> -> memref<10000x16xf32, #tpu.memory_space<vmem_shared>>
    tpu.enqueue_indirect_dma source(%dma_start3A_37 : memref<10000x16xf32, #tpu.memory_space<vmem_shared>>) target(%arg11 : memref<125x16xf32, #tpu.memory_space<vmem>>) offsets(%dma_start3A_34 : memref<125xi32, #tpu.memory_space<vmem>>) semaphore(%arg16 : memref<!tpu.dma_semaphore, #tpu.memory_space<semaphore_mem>>)
    %dma_start3A_38 = arith.constant 4 : i32
    %dma_start3A_39 = arith.constant 0 : i32
    %dma_start3A_40 = tpu.memref_slice %arg6[%dma_start3A_38, %dma_start3A_39] : memref<80x125xi32, #tpu.memory_space<vmem>> -> memref<1x125xi32, #tpu.memory_space<vmem>>
    %dma_start3A_41 = tpu.memref_squeeze %dma_start3A_40 : memref<1x125xi32, #tpu.memory_space<vmem>> -> memref<125xi32, #tpu.memory_space<vmem>>
    %dma_start3A_42 = arith.constant 0 : i32
    %dma_start3A_43 = arith.constant 0 : i32
    %dma_start3A_44 = tpu.memref_slice %arg20[%dma_start3A_42, %dma_start3A_43] : memref<10000x16xf32, #tpu.memory_space<vmem_shared>> -> memref<10000x16xf32, #tpu.memory_space<vmem_shared>>
    tpu.enqueue_indirect_dma source(%dma_start3A_44 : memref<10000x16xf32, #tpu.memory_space<vmem_shared>>) target(%arg12 : memref<125x16xf32, #tpu.memory_space<vmem>>) offsets(%dma_start3A_41 : memref<125xi32, #tpu.memory_space<vmem>>) semaphore(%arg17 : memref<!tpu.dma_semaphore, #tpu.memory_space<semaphore_mem>>)
    %scan3A = arith.constant 0 : i32
    %scan3A_45 = arith.constant 0 : i32
    %scan3A_46 = arith.constant 16 : i32
    %scan3A_47 = arith.addi %scan3A_45, %scan3A_46 : i32
    %scan3A_48 = arith.constant 1 : i32
    %scan3A_49 = scf.for %scan3A_52 = %scan3A_45 to %scan3A_47 step %scan3A_48 iter_args(%scan3A_53 = %scan3A) -> (i32)  : i32 {
      %mul3A_54 = arith.constant 5 : i32
      %mul3A_55 = arith.muli %scan3A_52, %mul3A_54 : i32
      %add3A_56 = arith.constant 0 : i32
      %add3A_57 = arith.addi %mul3A_55, %add3A_56 : i32
      %dma_wait3A_58 = arith.constant 0 : i32
      %dma_wait3A_59 = tpu.memref_slice %arg6[%add3A_57, %dma_wait3A_58] : memref<80x125xi32, #tpu.memory_space<vmem>> -> memref<1x125xi32, #tpu.memory_space<vmem>>
      %dma_wait3A_60 = tpu.memref_squeeze %dma_wait3A_59 : memref<1x125xi32, #tpu.memory_space<vmem>> -> memref<125xi32, #tpu.memory_space<vmem>>
      %dma_wait3A_61 = arith.constant 0 : i32
      %dma_wait3A_62 = arith.constant 0 : i32
      %dma_wait3A_63 = tpu.memref_slice %arg20[%dma_wait3A_61, %dma_wait3A_62] : memref<10000x16xf32, #tpu.memory_space<vmem_shared>> -> memref<10000x16xf32, #tpu.memory_space<vmem_shared>>
      tpu.wait_indirect_dma semaphore(%arg13 : memref<!tpu.dma_semaphore, #tpu.memory_space<semaphore_mem>>) src(%dma_wait3A_63 : memref<10000x16xf32, #tpu.memory_space<vmem_shared>>) dst(%arg8 : memref<125x16xf32, #tpu.memory_space<vmem>>)
      "tpu.region"() ({
        %run_scoped3A_129 = tpu.sem_alloc : memref<!tpu.dma_semaphore, #tpu.memory_space<semaphore_mem>>
        %dma_start3A_130 = arith.constant 0 : i32
        %dma_start3A_131 = tpu.memref_slice %arg7[%add3A_57, %dma_start3A_130] : memref<80x125xi32, #tpu.memory_space<vmem>> -> memref<1x125xi32, #tpu.memory_space<vmem>>
        %dma_start3A_132 = tpu.memref_squeeze %dma_start3A_131 : memref<1x125xi32, #tpu.memory_space<vmem>> -> memref<125xi32, #tpu.memory_space<vmem>>
        %dma_start3A_133 = arith.constant 0 : i32
        %dma_start3A_134 = arith.constant 0 : i32
        %dma_start3A_135 = tpu.memref_slice %arg21[%dma_start3A_133, %dma_start3A_134] : memref<10000x16xf32, #tpu.memory_space<vmem_shared>> -> memref<10000x16xf32, #tpu.memory_space<vmem_shared>>
        tpu.enqueue_indirect_dma source(%arg8 : memref<125x16xf32, #tpu.memory_space<vmem>>) target(%dma_start3A_135 : memref<10000x16xf32, #tpu.memory_space<vmem_shared>>) offsets(%dma_start3A_132 : memref<125xi32, #tpu.memory_space<vmem>>) semaphore(%run_scoped3A_129 : memref<!tpu.dma_semaphore, #tpu.memory_space<semaphore_mem>>) {add = true}
        %dma_wait3A_136 = arith.constant 0 : i32
        %dma_wait3A_137 = tpu.memref_slice %arg7[%add3A_57, %dma_wait3A_136] : memref<80x125xi32, #tpu.memory_space<vmem>> -> memref<1x125xi32, #tpu.memory_space<vmem>>
        %dma_wait3A_138 = tpu.memref_squeeze %dma_wait3A_137 : memref<1x125xi32, #tpu.memory_space<vmem>> -> memref<125xi32, #tpu.memory_space<vmem>>
        %dma_wait3A_139 = arith.constant 0 : i32
        %dma_wait3A_140 = arith.constant 0 : i32
        %dma_wait3A_141 = tpu.memref_slice %arg21[%dma_wait3A_139, %dma_wait3A_140] : memref<10000x16xf32, #tpu.memory_space<vmem_shared>> -> memref<10000x16xf32, #tpu.memory_space<vmem_shared>>
        tpu.wait_indirect_dma semaphore(%run_scoped3A_129 : memref<!tpu.dma_semaphore, #tpu.memory_space<semaphore_mem>>) src(%arg8 : memref<125x16xf32, #tpu.memory_space<vmem>>) dst(%dma_wait3A_141 : memref<10000x16xf32, #tpu.memory_space<vmem_shared>>)
        tpu.yield
      }) : () -> ()
      %add3A_64 = arith.constant 5 : i32
      %add3A_65 = arith.addi %add3A_57, %add3A_64 : i32
      %lt3A = arith.constant 80 : i32
      %lt3A_66 = arith.cmpi slt, %add3A_65, %lt3A : i32
      %convert_element_type3A = arith.extui %lt3A_66 : i1 to i32
      %cond3A = arith.constant 0 : i32
      %cond3A_67 = arith.cmpi ne, %convert_element_type3A, %cond3A : i32
      scf.if %cond3A_67 {
        %dma_start3A_129 = arith.constant 0 : i32
        %dma_start3A_130 = tpu.memref_slice %arg6[%add3A_65, %dma_start3A_129] : memref<80x125xi32, #tpu.memory_space<vmem>> -> memref<1x125xi32, #tpu.memory_space<vmem>>
        %dma_start3A_131 = tpu.memref_squeeze %dma_start3A_130 : memref<1x125xi32, #tpu.memory_space<vmem>> -> memref<125xi32, #tpu.memory_space<vmem>>
        %dma_start3A_132 = arith.constant 0 : i32
        %dma_start3A_133 = arith.constant 0 : i32
        %dma_start3A_134 = tpu.memref_slice %arg20[%dma_start3A_132, %dma_start3A_133] : memref<10000x16xf32, #tpu.memory_space<vmem_shared>> -> memref<10000x16xf32, #tpu.memory_space<vmem_shared>>
        tpu.enqueue_indirect_dma source(%dma_start3A_134 : memref<10000x16xf32, #tpu.memory_space<vmem_shared>>) target(%arg8 : memref<125x16xf32, #tpu.memory_space<vmem>>) offsets(%dma_start3A_131 : memref<125xi32, #tpu.memory_space<vmem>>) semaphore(%arg13 : memref<!tpu.dma_semaphore, #tpu.memory_space<semaphore_mem>>)
      } else {
      }
      %add3A_68 = arith.constant 1 : i32
      %add3A_69 = arith.addi %mul3A_55, %add3A_68 : i32
      %dma_wait3A_70 = arith.constant 0 : i32
      %dma_wait3A_71 = tpu.memref_slice %arg6[%add3A_69, %dma_wait3A_70] : memref<80x125xi32, #tpu.memory_space<vmem>> -> memref<1x125xi32, #tpu.memory_space<vmem>>
      %dma_wait3A_72 = tpu.memref_squeeze %dma_wait3A_71 : memref<1x125xi32, #tpu.memory_space<vmem>> -> memref<125xi32, #tpu.memory_space<vmem>>
      %dma_wait3A_73 = arith.constant 0 : i32
      %dma_wait3A_74 = arith.constant 0 : i32
      %dma_wait3A_75 = tpu.memref_slice %arg20[%dma_wait3A_73, %dma_wait3A_74] : memref<10000x16xf32, #tpu.memory_space<vmem_shared>> -> memref<10000x16xf32, #tpu.memory_space<vmem_shared>>
      tpu.wait_indirect_dma semaphore(%arg14 : memref<!tpu.dma_semaphore, #tpu.memory_space<semaphore_mem>>) src(%dma_wait3A_75 : memref<10000x16xf32, #tpu.memory_space<vmem_shared>>) dst(%arg9 : memref<125x16xf32, #tpu.memory_space<vmem>>)
      "tpu.region"() ({
        %run_scoped3A_129 = tpu.sem_alloc : memref<!tpu.dma_semaphore, #tpu.memory_space<semaphore_mem>>
        %dma_start3A_130 = arith.constant 0 : i32
        %dma_start3A_131 = tpu.memref_slice %arg7[%add3A_69, %dma_start3A_130] : memref<80x125xi32, #tpu.memory_space<vmem>> -> memref<1x125xi32, #tpu.memory_space<vmem>>
        %dma_start3A_132 = tpu.memref_squeeze %dma_start3A_131 : memref<1x125xi32, #tpu.memory_space<vmem>> -> memref<125xi32, #tpu.memory_space<vmem>>
        %dma_start3A_133 = arith.constant 0 : i32
        %dma_start3A_134 = arith.constant 0 : i32
        %dma_start3A_135 = tpu.memref_slice %arg21[%dma_start3A_133, %dma_start3A_134] : memref<10000x16xf32, #tpu.memory_space<vmem_shared>> -> memref<10000x16xf32, #tpu.memory_space<vmem_shared>>
        tpu.enqueue_indirect_dma source(%arg9 : memref<125x16xf32, #tpu.memory_space<vmem>>) target(%dma_start3A_135 : memref<10000x16xf32, #tpu.memory_space<vmem_shared>>) offsets(%dma_start3A_132 : memref<125xi32, #tpu.memory_space<vmem>>) semaphore(%run_scoped3A_129 : memref<!tpu.dma_semaphore, #tpu.memory_space<semaphore_mem>>) {add = true}
        %dma_wait3A_136 = arith.constant 0 : i32
        %dma_wait3A_137 = tpu.memref_slice %arg7[%add3A_69, %dma_wait3A_136] : memref<80x125xi32, #tpu.memory_space<vmem>> -> memref<1x125xi32, #tpu.memory_space<vmem>>
        %dma_wait3A_138 = tpu.memref_squeeze %dma_wait3A_137 : memref<1x125xi32, #tpu.memory_space<vmem>> -> memref<125xi32, #tpu.memory_space<vmem>>
        %dma_wait3A_139 = arith.constant 0 : i32
        %dma_wait3A_140 = arith.constant 0 : i32
        %dma_wait3A_141 = tpu.memref_slice %arg21[%dma_wait3A_139, %dma_wait3A_140] : memref<10000x16xf32, #tpu.memory_space<vmem_shared>> -> memref<10000x16xf32, #tpu.memory_space<vmem_shared>>
        tpu.wait_indirect_dma semaphore(%run_scoped3A_129 : memref<!tpu.dma_semaphore, #tpu.memory_space<semaphore_mem>>) src(%arg9 : memref<125x16xf32, #tpu.memory_space<vmem>>) dst(%dma_wait3A_141 : memref<10000x16xf32, #tpu.memory_space<vmem_shared>>)
        tpu.yield
      }) : () -> ()
      %add3A_76 = arith.constant 5 : i32
      %add3A_77 = arith.addi %add3A_69, %add3A_76 : i32
      %lt3A_78 = arith.constant 80 : i32
      %lt3A_79 = arith.cmpi slt, %add3A_77, %lt3A_78 : i32
      %convert_element_type3A_80 = arith.extui %lt3A_79 : i1 to i32
      %cond3A_81 = arith.constant 0 : i32
      %cond3A_82 = arith.cmpi ne, %convert_element_type3A_80, %cond3A_81 : i32
      scf.if %cond3A_82 {
        %dma_start3A_129 = arith.constant 0 : i32
        %dma_start3A_130 = tpu.memref_slice %arg6[%add3A_77, %dma_start3A_129] : memref<80x125xi32, #tpu.memory_space<vmem>> -> memref<1x125xi32, #tpu.memory_space<vmem>>
        %dma_start3A_131 = tpu.memref_squeeze %dma_start3A_130 : memref<1x125xi32, #tpu.memory_space<vmem>> -> memref<125xi32, #tpu.memory_space<vmem>>
        %dma_start3A_132 = arith.constant 0 : i32
        %dma_start3A_133 = arith.constant 0 : i32
        %dma_start3A_134 = tpu.memref_slice %arg20[%dma_start3A_132, %dma_start3A_133] : memref<10000x16xf32, #tpu.memory_space<vmem_shared>> -> memref<10000x16xf32, #tpu.memory_space<vmem_shared>>
        tpu.enqueue_indirect_dma source(%dma_start3A_134 : memref<10000x16xf32, #tpu.memory_space<vmem_shared>>) target(%arg9 : memref<125x16xf32, #tpu.memory_space<vmem>>) offsets(%dma_start3A_131 : memref<125xi32, #tpu.memory_space<vmem>>) semaphore(%arg14 : memref<!tpu.dma_semaphore, #tpu.memory_space<semaphore_mem>>)
      } else {
      }
      %add3A_83 = arith.constant 2 : i32
      %add3A_84 = arith.addi %mul3A_55, %add3A_83 : i32
      %dma_wait3A_85 = arith.constant 0 : i32
      %dma_wait3A_86 = tpu.memref_slice %arg6[%add3A_84, %dma_wait3A_85] : memref<80x125xi32, #tpu.memory_space<vmem>> -> memref<1x125xi32, #tpu.memory_space<vmem>>
      %dma_wait3A_87 = tpu.memref_squeeze %dma_wait3A_86 : memref<1x125xi32, #tpu.memory_space<vmem>> -> memref<125xi32, #tpu.memory_space<vmem>>
      %dma_wait3A_88 = arith.constant 0 : i32
      %dma_wait3A_89 = arith.constant 0 : i32
      %dma_wait3A_90 = tpu.memref_slice %arg20[%dma_wait3A_88, %dma_wait3A_89] : memref<10000x16xf32, #tpu.memory_space<vmem_shared>> -> memref<10000x16xf32, #tpu.memory_space<vmem_shared>>
      tpu.wait_indirect_dma semaphore(%arg15 : memref<!tpu.dma_semaphore, #tpu.memory_space<semaphore_mem>>) src(%dma_wait3A_90 : memref<10000x16xf32, #tpu.memory_space<vmem_shared>>) dst(%arg10 : memref<125x16xf32, #tpu.memory_space<vmem>>)
      "tpu.region"() ({
        %run_scoped3A_129 = tpu.sem_alloc : memref<!tpu.dma_semaphore, #tpu.memory_space<semaphore_mem>>
        %dma_start3A_130 = arith.constant 0 : i32
        %dma_start3A_131 = tpu.memref_slice %arg7[%add3A_84, %dma_start3A_130] : memref<80x125xi32, #tpu.memory_space<vmem>> -> memref<1x125xi32, #tpu.memory_space<vmem>>
        %dma_start3A_132 = tpu.memref_squeeze %dma_start3A_131 : memref<1x125xi32, #tpu.memory_space<vmem>> -> memref<125xi32, #tpu.memory_space<vmem>>
        %dma_start3A_133 = arith.constant 0 : i32
        %dma_start3A_134 = arith.constant 0 : i32
        %dma_start3A_135 = tpu.memref_slice %arg21[%dma_start3A_133, %dma_start3A_134] : memref<10000x16xf32, #tpu.memory_space<vmem_shared>> -> memref<10000x16xf32, #tpu.memory_space<vmem_shared>>
        tpu.enqueue_indirect_dma source(%arg10 : memref<125x16xf32, #tpu.memory_space<vmem>>) target(%dma_start3A_135 : memref<10000x16xf32, #tpu.memory_space<vmem_shared>>) offsets(%dma_start3A_132 : memref<125xi32, #tpu.memory_space<vmem>>) semaphore(%run_scoped3A_129 : memref<!tpu.dma_semaphore, #tpu.memory_space<semaphore_mem>>) {add = true}
        %dma_wait3A_136 = arith.constant 0 : i32
        %dma_wait3A_137 = tpu.memref_slice %arg7[%add3A_84, %dma_wait3A_136] : memref<80x125xi32, #tpu.memory_space<vmem>> -> memref<1x125xi32, #tpu.memory_space<vmem>>
        %dma_wait3A_138 = tpu.memref_squeeze %dma_wait3A_137 : memref<1x125xi32, #tpu.memory_space<vmem>> -> memref<125xi32, #tpu.memory_space<vmem>>
        %dma_wait3A_139 = arith.constant 0 : i32
        %dma_wait3A_140 = arith.constant 0 : i32
        %dma_wait3A_141 = tpu.memref_slice %arg21[%dma_wait3A_139, %dma_wait3A_140] : memref<10000x16xf32, #tpu.memory_space<vmem_shared>> -> memref<10000x16xf32, #tpu.memory_space<vmem_shared>>
        tpu.wait_indirect_dma semaphore(%run_scoped3A_129 : memref<!tpu.dma_semaphore, #tpu.memory_space<semaphore_mem>>) src(%arg10 : memref<125x16xf32, #tpu.memory_space<vmem>>) dst(%dma_wait3A_141 : memref<10000x16xf32, #tpu.memory_space<vmem_shared>>)
        tpu.yield
      }) : () -> ()
      %add3A_91 = arith.constant 5 : i32
      %add3A_92 = arith.addi %add3A_84, %add3A_91 : i32
      %lt3A_93 = arith.constant 80 : i32
      %lt3A_94 = arith.cmpi slt, %add3A_92, %lt3A_93 : i32
      %convert_element_type3A_95 = arith.extui %lt3A_94 : i1 to i32
      %cond3A_96 = arith.constant 0 : i32
      %cond3A_97 = arith.cmpi ne, %convert_element_type3A_95, %cond3A_96 : i32
      scf.if %cond3A_97 {
        %dma_start3A_129 = arith.constant 0 : i32
        %dma_start3A_130 = tpu.memref_slice %arg6[%add3A_92, %dma_start3A_129] : memref<80x125xi32, #tpu.memory_space<vmem>> -> memref<1x125xi32, #tpu.memory_space<vmem>>
        %dma_start3A_131 = tpu.memref_squeeze %dma_start3A_130 : memref<1x125xi32, #tpu.memory_space<vmem>> -> memref<125xi32, #tpu.memory_space<vmem>>
        %dma_start3A_132 = arith.constant 0 : i32
        %dma_start3A_133 = arith.constant 0 : i32
        %dma_start3A_134 = tpu.memref_slice %arg20[%dma_start3A_132, %dma_start3A_133] : memref<10000x16xf32, #tpu.memory_space<vmem_shared>> -> memref<10000x16xf32, #tpu.memory_space<vmem_shared>>
        tpu.enqueue_indirect_dma source(%dma_start3A_134 : memref<10000x16xf32, #tpu.memory_space<vmem_shared>>) target(%arg10 : memref<125x16xf32, #tpu.memory_space<vmem>>) offsets(%dma_start3A_131 : memref<125xi32, #tpu.memory_space<vmem>>) semaphore(%arg15 : memref<!tpu.dma_semaphore, #tpu.memory_space<semaphore_mem>>)
      } else {
      }
      %add3A_98 = arith.constant 3 : i32
      %add3A_99 = arith.addi %mul3A_55, %add3A_98 : i32
      %dma_wait3A_100 = arith.constant 0 : i32
      %dma_wait3A_101 = tpu.memref_slice %arg6[%add3A_99, %dma_wait3A_100] : memref<80x125xi32, #tpu.memory_space<vmem>> -> memref<1x125xi32, #tpu.memory_space<vmem>>
      %dma_wait3A_102 = tpu.memref_squeeze %dma_wait3A_101 : memref<1x125xi32, #tpu.memory_space<vmem>> -> memref<125xi32, #tpu.memory_space<vmem>>
      %dma_wait3A_103 = arith.constant 0 : i32
      %dma_wait3A_104 = arith.constant 0 : i32
      %dma_wait3A_105 = tpu.memref_slice %arg20[%dma_wait3A_103, %dma_wait3A_104] : memref<10000x16xf32, #tpu.memory_space<vmem_shared>> -> memref<10000x16xf32, #tpu.memory_space<vmem_shared>>
      tpu.wait_indirect_dma semaphore(%arg16 : memref<!tpu.dma_semaphore, #tpu.memory_space<semaphore_mem>>) src(%dma_wait3A_105 : memref<10000x16xf32, #tpu.memory_space<vmem_shared>>) dst(%arg11 : memref<125x16xf32, #tpu.memory_space<vmem>>)
      "tpu.region"() ({
        %run_scoped3A_129 = tpu.sem_alloc : memref<!tpu.dma_semaphore, #tpu.memory_space<semaphore_mem>>
        %dma_start3A_130 = arith.constant 0 : i32
        %dma_start3A_131 = tpu.memref_slice %arg7[%add3A_99, %dma_start3A_130] : memref<80x125xi32, #tpu.memory_space<vmem>> -> memref<1x125xi32, #tpu.memory_space<vmem>>
        %dma_start3A_132 = tpu.memref_squeeze %dma_start3A_131 : memref<1x125xi32, #tpu.memory_space<vmem>> -> memref<125xi32, #tpu.memory_space<vmem>>
        %dma_start3A_133 = arith.constant 0 : i32
        %dma_start3A_134 = arith.constant 0 : i32
        %dma_start3A_135 = tpu.memref_slice %arg21[%dma_start3A_133, %dma_start3A_134] : memref<10000x16xf32, #tpu.memory_space<vmem_shared>> -> memref<10000x16xf32, #tpu.memory_space<vmem_shared>>
        tpu.enqueue_indirect_dma source(%arg11 : memref<125x16xf32, #tpu.memory_space<vmem>>) target(%dma_start3A_135 : memref<10000x16xf32, #tpu.memory_space<vmem_shared>>) offsets(%dma_start3A_132 : memref<125xi32, #tpu.memory_space<vmem>>) semaphore(%run_scoped3A_129 : memref<!tpu.dma_semaphore, #tpu.memory_space<semaphore_mem>>) {add = true}
        %dma_wait3A_136 = arith.constant 0 : i32
        %dma_wait3A_137 = tpu.memref_slice %arg7[%add3A_99, %dma_wait3A_136] : memref<80x125xi32, #tpu.memory_space<vmem>> -> memref<1x125xi32, #tpu.memory_space<vmem>>
        %dma_wait3A_138 = tpu.memref_squeeze %dma_wait3A_137 : memref<1x125xi32, #tpu.memory_space<vmem>> -> memref<125xi32, #tpu.memory_space<vmem>>
        %dma_wait3A_139 = arith.constant 0 : i32
        %dma_wait3A_140 = arith.constant 0 : i32
        %dma_wait3A_141 = tpu.memref_slice %arg21[%dma_wait3A_139, %dma_wait3A_140] : memref<10000x16xf32, #tpu.memory_space<vmem_shared>> -> memref<10000x16xf32, #tpu.memory_space<vmem_shared>>
        tpu.wait_indirect_dma semaphore(%run_scoped3A_129 : memref<!tpu.dma_semaphore, #tpu.memory_space<semaphore_mem>>) src(%arg11 : memref<125x16xf32, #tpu.memory_space<vmem>>) dst(%dma_wait3A_141 : memref<10000x16xf32, #tpu.memory_space<vmem_shared>>)
        tpu.yield
      }) : () -> ()
      %add3A_106 = arith.constant 5 : i32
      %add3A_107 = arith.addi %add3A_99, %add3A_106 : i32
      %lt3A_108 = arith.constant 80 : i32
      %lt3A_109 = arith.cmpi slt, %add3A_107, %lt3A_108 : i32
      %convert_element_type3A_110 = arith.extui %lt3A_109 : i1 to i32
      %cond3A_111 = arith.constant 0 : i32
      %cond3A_112 = arith.cmpi ne, %convert_element_type3A_110, %cond3A_111 : i32
      scf.if %cond3A_112 {
        %dma_start3A_129 = arith.constant 0 : i32
        %dma_start3A_130 = tpu.memref_slice %arg6[%add3A_107, %dma_start3A_129] : memref<80x125xi32, #tpu.memory_space<vmem>> -> memref<1x125xi32, #tpu.memory_space<vmem>>
        %dma_start3A_131 = tpu.memref_squeeze %dma_start3A_130 : memref<1x125xi32, #tpu.memory_space<vmem>> -> memref<125xi32, #tpu.memory_space<vmem>>
        %dma_start3A_132 = arith.constant 0 : i32
        %dma_start3A_133 = arith.constant 0 : i32
        %dma_start3A_134 = tpu.memref_slice %arg20[%dma_start3A_132, %dma_start3A_133] : memref<10000x16xf32, #tpu.memory_space<vmem_shared>> -> memref<10000x16xf32, #tpu.memory_space<vmem_shared>>
        tpu.enqueue_indirect_dma source(%dma_start3A_134 : memref<10000x16xf32, #tpu.memory_space<vmem_shared>>) target(%arg11 : memref<125x16xf32, #tpu.memory_space<vmem>>) offsets(%dma_start3A_131 : memref<125xi32, #tpu.memory_space<vmem>>) semaphore(%arg16 : memref<!tpu.dma_semaphore, #tpu.memory_space<semaphore_mem>>)
      } else {
      }
      %add3A_113 = arith.constant 4 : i32
      %add3A_114 = arith.addi %mul3A_55, %add3A_113 : i32
      %dma_wait3A_115 = arith.constant 0 : i32
      %dma_wait3A_116 = tpu.memref_slice %arg6[%add3A_114, %dma_wait3A_115] : memref<80x125xi32, #tpu.memory_space<vmem>> -> memref<1x125xi32, #tpu.memory_space<vmem>>
      %dma_wait3A_117 = tpu.memref_squeeze %dma_wait3A_116 : memref<1x125xi32, #tpu.memory_space<vmem>> -> memref<125xi32, #tpu.memory_space<vmem>>
      %dma_wait3A_118 = arith.constant 0 : i32
      %dma_wait3A_119 = arith.constant 0 : i32
      %dma_wait3A_120 = tpu.memref_slice %arg20[%dma_wait3A_118, %dma_wait3A_119] : memref<10000x16xf32, #tpu.memory_space<vmem_shared>> -> memref<10000x16xf32, #tpu.memory_space<vmem_shared>>
      tpu.wait_indirect_dma semaphore(%arg17 : memref<!tpu.dma_semaphore, #tpu.memory_space<semaphore_mem>>) src(%dma_wait3A_120 : memref<10000x16xf32, #tpu.memory_space<vmem_shared>>) dst(%arg12 : memref<125x16xf32, #tpu.memory_space<vmem>>)
      "tpu.region"() ({
        %run_scoped3A_129 = tpu.sem_alloc : memref<!tpu.dma_semaphore, #tpu.memory_space<semaphore_mem>>
        %dma_start3A_130 = arith.constant 0 : i32
        %dma_start3A_131 = tpu.memref_slice %arg7[%add3A_114, %dma_start3A_130] : memref<80x125xi32, #tpu.memory_space<vmem>> -> memref<1x125xi32, #tpu.memory_space<vmem>>
        %dma_start3A_132 = tpu.memref_squeeze %dma_start3A_131 : memref<1x125xi32, #tpu.memory_space<vmem>> -> memref<125xi32, #tpu.memory_space<vmem>>
        %dma_start3A_133 = arith.constant 0 : i32
        %dma_start3A_134 = arith.constant 0 : i32
        %dma_start3A_135 = tpu.memref_slice %arg21[%dma_start3A_133, %dma_start3A_134] : memref<10000x16xf32, #tpu.memory_space<vmem_shared>> -> memref<10000x16xf32, #tpu.memory_space<vmem_shared>>
        tpu.enqueue_indirect_dma source(%arg12 : memref<125x16xf32, #tpu.memory_space<vmem>>) target(%dma_start3A_135 : memref<10000x16xf32, #tpu.memory_space<vmem_shared>>) offsets(%dma_start3A_132 : memref<125xi32, #tpu.memory_space<vmem>>) semaphore(%run_scoped3A_129 : memref<!tpu.dma_semaphore, #tpu.memory_space<semaphore_mem>>) {add = true}
        %dma_wait3A_136 = arith.constant 0 : i32
        %dma_wait3A_137 = tpu.memref_slice %arg7[%add3A_114, %dma_wait3A_136] : memref<80x125xi32, #tpu.memory_space<vmem>> -> memref<1x125xi32, #tpu.memory_space<vmem>>
        %dma_wait3A_138 = tpu.memref_squeeze %dma_wait3A_137 : memref<1x125xi32, #tpu.memory_space<vmem>> -> memref<125xi32, #tpu.memory_space<vmem>>
        %dma_wait3A_139 = arith.constant 0 : i32
        %dma_wait3A_140 = arith.constant 0 : i32
        %dma_wait3A_141 = tpu.memref_slice %arg21[%dma_wait3A_139, %dma_wait3A_140] : memref<10000x16xf32, #tpu.memory_space<vmem_shared>> -> memref<10000x16xf32, #tpu.memory_space<vmem_shared>>
        tpu.wait_indirect_dma semaphore(%run_scoped3A_129 : memref<!tpu.dma_semaphore, #tpu.memory_space<semaphore_mem>>) src(%arg12 : memref<125x16xf32, #tpu.memory_space<vmem>>) dst(%dma_wait3A_141 : memref<10000x16xf32, #tpu.memory_space<vmem_shared>>)
        tpu.yield
      }) : () -> ()
      %add3A_121 = arith.constant 5 : i32
      %add3A_122 = arith.addi %add3A_114, %add3A_121 : i32
      %lt3A_123 = arith.constant 80 : i32
      %lt3A_124 = arith.cmpi slt, %add3A_122, %lt3A_123 : i32
      %convert_element_type3A_125 = arith.extui %lt3A_124 : i1 to i32
      %cond3A_126 = arith.constant 0 : i32
      %cond3A_127 = arith.cmpi ne, %convert_element_type3A_125, %cond3A_126 : i32
      scf.if %cond3A_127 {
        %dma_start3A_129 = arith.constant 0 : i32
        %dma_start3A_130 = tpu.memref_slice %arg6[%add3A_122, %dma_start3A_129] : memref<80x125xi32, #tpu.memory_space<vmem>> -> memref<1x125xi32, #tpu.memory_space<vmem>>
        %dma_start3A_131 = tpu.memref_squeeze %dma_start3A_130 : memref<1x125xi32, #tpu.memory_space<vmem>> -> memref<125xi32, #tpu.memory_space<vmem>>
        %dma_start3A_132 = arith.constant 0 : i32
        %dma_start3A_133 = arith.constant 0 : i32
        %dma_start3A_134 = tpu.memref_slice %arg20[%dma_start3A_132, %dma_start3A_133] : memref<10000x16xf32, #tpu.memory_space<vmem_shared>> -> memref<10000x16xf32, #tpu.memory_space<vmem_shared>>
        tpu.enqueue_indirect_dma source(%dma_start3A_134 : memref<10000x16xf32, #tpu.memory_space<vmem_shared>>) target(%arg12 : memref<125x16xf32, #tpu.memory_space<vmem>>) offsets(%dma_start3A_131 : memref<125xi32, #tpu.memory_space<vmem>>) semaphore(%arg17 : memref<!tpu.dma_semaphore, #tpu.memory_space<semaphore_mem>>)
      } else {
      }
      %scan3A_128 = arith.constant 0 : i32
      scf.yield %scan3A_128 : i32
    }
    %scan3A_50 = arith.constant 16 : i32
    %barrier3A_51 = arith.constant 0 : index
    tpu.barrier barrier_id(%barrier3A_51)
    "tpu.region"() ({
      %run_scoped3A_52 = tpu.sem_alloc : memref<!tpu.dma_semaphore, #tpu.memory_space<semaphore_mem>>
      %dma_start3A_53 = arith.constant 0 : i32
      %dma_start3A_54 = tpu.memref_slice %arg5[%arg0, %mul3A_2, %dma_start3A_53] : memref<2x10000x16xf32, #tpu.memory_space<hbm>> -> memref<1x625x16xf32, #tpu.memory_space<hbm>>
      %dma_start3A_55 = tpu.memref_squeeze %dma_start3A_54 : memref<1x625x16xf32, #tpu.memory_space<hbm>> -> memref<625x16xf32, #tpu.memory_space<hbm>>
      %dma_start3A_56 = arith.constant 0 : i32
      %dma_start3A_57 = tpu.memref_slice %arg21[%mul3A_2, %dma_start3A_56] : memref<10000x16xf32, #tpu.memory_space<vmem_shared>> -> memref<625x16xf32, #tpu.memory_space<vmem_shared>>
      tpu.enqueue_dma source(%dma_start3A_57 : memref<625x16xf32, #tpu.memory_space<vmem_shared>>) target(%dma_start3A_55 : memref<625x16xf32, #tpu.memory_space<hbm>>) target_semaphore(%run_scoped3A_52 : memref<!tpu.dma_semaphore, #tpu.memory_space<semaphore_mem>>)
      %dma_wait3A_58 = arith.constant 0 : i32
      %dma_wait3A_59 = tpu.memref_slice %arg5[%arg0, %mul3A_2, %dma_wait3A_58] : memref<2x10000x16xf32, #tpu.memory_space<hbm>> -> memref<1x625x16xf32, #tpu.memory_space<hbm>>
      %dma_wait3A_60 = tpu.memref_squeeze %dma_wait3A_59 : memref<1x625x16xf32, #tpu.memory_space<hbm>> -> memref<625x16xf32, #tpu.memory_space<hbm>>
      %dma_wait3A_61 = arith.constant 0 : i32
      %dma_wait3A_62 = tpu.memref_slice %arg21[%mul3A_2, %dma_wait3A_61] : memref<10000x16xf32, #tpu.memory_space<vmem_shared>> -> memref<625x16xf32, #tpu.memory_space<vmem_shared>>
      tpu.wait_dma2 semaphore(%run_scoped3A_52 : memref<!tpu.dma_semaphore, #tpu.memory_space<semaphore_mem>>) src(%dma_wait3A_62 : memref<625x16xf32, #tpu.memory_space<vmem_shared>>) dst(%dma_wait3A_60 : memref<625x16xf32, #tpu.memory_space<hbm>>)
      tpu.yield
    }) : () -> ()
    return
  }
}

#map = affine_map<(d0, d1) -> (0, 0, 0, 0)>
#map1 = affine_map<(d0, d1) -> (0, 0)>
#map2 = affine_map<(d0, d1) -> (0, 0, 0)>
module attributes {stable_mosaic.version = 14 : i64} {
  func.func @k(%arg0: i32, %arg1: i32, %arg2: memref<2x32x80x125xi32, #tpu.memory_space<hbm>>, %arg3: memref<125x8xf32, #tpu.memory_space<hbm>>, %arg4: memref<625x8xf32, #tpu.memory_space<hbm>>, %arg5: memref<2x10000x8xf32, #tpu.memory_space<hbm>>, %arg6: memref<80x125xi32, #tpu.memory_space<vmem>>, %arg7: memref<125x8xf32, #tpu.memory_space<vmem>>, %arg8: memref<10000x8xf32, #tpu.memory_space<vmem_shared>>) attributes {dimension_semantics = [#tpu.dimension_semantics<core_parallel>, #tpu.dimension_semantics<subcore_parallel>], iteration_bounds = array<i64: 2, 16>, scalar_prefetch = 0 : i64, scratch_operands = 3 : i64, tpu.core_type = #tpu.core_type<sc_vector_subcore>, window_params = [{transform_indices = #map}, {transform_indices = #map1}, {transform_indices = #map1}, {transform_indices = #map2}]} {
    %mul3A = arith.constant 2 : i32
    %mul3A_0 = arith.muli %arg1, %mul3A : i32
    %add3A = arith.addi %mul3A_0, %arg0 : i32
    %mul3A_1 = arith.constant 625 : i32
    %mul3A_2 = arith.muli %arg1, %mul3A_1 : i32
    "tpu.region"() ({
      %run_scoped3A_10 = tpu.sem_alloc : memref<!tpu.dma_semaphore, #tpu.memory_space<semaphore_mem>>
      %dma_start3A = arith.constant 0 : i32
      %dma_start3A_11 = tpu.memref_slice %arg8[%mul3A_2, %dma_start3A] : memref<10000x8xf32, #tpu.memory_space<vmem_shared>> -> memref<625x8xf32, #tpu.memory_space<vmem_shared>>
      tpu.enqueue_dma source(%arg4 : memref<625x8xf32, #tpu.memory_space<hbm>>) target(%dma_start3A_11 : memref<625x8xf32, #tpu.memory_space<vmem_shared>>) target_semaphore(%run_scoped3A_10 : memref<!tpu.dma_semaphore, #tpu.memory_space<semaphore_mem>>)
      %dma_wait3A = arith.constant 0 : i32
      %dma_wait3A_12 = tpu.memref_slice %arg8[%mul3A_2, %dma_wait3A] : memref<10000x8xf32, #tpu.memory_space<vmem_shared>> -> memref<625x8xf32, #tpu.memory_space<vmem_shared>>
      tpu.wait_dma2 semaphore(%run_scoped3A_10 : memref<!tpu.dma_semaphore, #tpu.memory_space<semaphore_mem>>) src(%arg4 : memref<625x8xf32, #tpu.memory_space<hbm>>) dst(%dma_wait3A_12 : memref<625x8xf32, #tpu.memory_space<vmem_shared>>)
      tpu.yield
    }) : () -> ()
    "tpu.region"() ({
      %run_scoped3A_10 = tpu.sem_alloc : memref<!tpu.dma_semaphore, #tpu.memory_space<semaphore_mem>>
      tpu.enqueue_dma source(%arg3 : memref<125x8xf32, #tpu.memory_space<hbm>>) target(%arg7 : memref<125x8xf32, #tpu.memory_space<vmem>>) target_semaphore(%run_scoped3A_10 : memref<!tpu.dma_semaphore, #tpu.memory_space<semaphore_mem>>)
      tpu.wait_dma2 semaphore(%run_scoped3A_10 : memref<!tpu.dma_semaphore, #tpu.memory_space<semaphore_mem>>) src(%arg3 : memref<125x8xf32, #tpu.memory_space<hbm>>) dst(%arg7 : memref<125x8xf32, #tpu.memory_space<vmem>>)
      tpu.yield
    }) : () -> ()
    %run_scoped3A = arith.constant 1 : i32
    "tpu.region"() ({
      %run_scoped3A_10 = tpu.sem_alloc : memref<!tpu.dma_semaphore, #tpu.memory_space<semaphore_mem>>
      %dma_start3A = arith.constant 0 : i32
      %dma_start3A_11 = arith.constant 0 : i32
      %dma_start3A_12 = tpu.memref_slice %arg2[%run_scoped3A, %add3A, %dma_start3A, %dma_start3A_11] : memref<2x32x80x125xi32, #tpu.memory_space<hbm>> -> memref<1x1x80x125xi32, #tpu.memory_space<hbm>>
      %dma_start3A_13 = tpu.memref_squeeze %dma_start3A_12 : memref<1x1x80x125xi32, #tpu.memory_space<hbm>> -> memref<80x125xi32, #tpu.memory_space<hbm>>
      %dma_start3A_14 = arith.constant 0 : i32
      %dma_start3A_15 = arith.constant 0 : i32
      %dma_start3A_16 = tpu.memref_slice %arg2[%run_scoped3A, %add3A, %dma_start3A_14, %dma_start3A_15] : memref<2x32x80x125xi32, #tpu.memory_space<hbm>> -> memref<1x1x80x125xi32, #tpu.memory_space<hbm>>
      %dma_start3A_17 = tpu.memref_squeeze %dma_start3A_16 : memref<1x1x80x125xi32, #tpu.memory_space<hbm>> -> memref<80x125xi32, #tpu.memory_space<hbm>>
      tpu.enqueue_dma source(%dma_start3A_17 : memref<80x125xi32, #tpu.memory_space<hbm>>) target(%arg6 : memref<80x125xi32, #tpu.memory_space<vmem>>) target_semaphore(%run_scoped3A_10 : memref<!tpu.dma_semaphore, #tpu.memory_space<semaphore_mem>>)
      %dma_wait3A = arith.constant 0 : i32
      %dma_wait3A_18 = arith.constant 0 : i32
      %dma_wait3A_19 = tpu.memref_slice %arg2[%run_scoped3A, %add3A, %dma_wait3A, %dma_wait3A_18] : memref<2x32x80x125xi32, #tpu.memory_space<hbm>> -> memref<1x1x80x125xi32, #tpu.memory_space<hbm>>
      %dma_wait3A_20 = tpu.memref_squeeze %dma_wait3A_19 : memref<1x1x80x125xi32, #tpu.memory_space<hbm>> -> memref<80x125xi32, #tpu.memory_space<hbm>>
      %dma_wait3A_21 = arith.constant 0 : i32
      %dma_wait3A_22 = arith.constant 0 : i32
      %dma_wait3A_23 = tpu.memref_slice %arg2[%run_scoped3A, %add3A, %dma_wait3A_21, %dma_wait3A_22] : memref<2x32x80x125xi32, #tpu.memory_space<hbm>> -> memref<1x1x80x125xi32, #tpu.memory_space<hbm>>
      %dma_wait3A_24 = tpu.memref_squeeze %dma_wait3A_23 : memref<1x1x80x125xi32, #tpu.memory_space<hbm>> -> memref<80x125xi32, #tpu.memory_space<hbm>>
      tpu.wait_dma2 semaphore(%run_scoped3A_10 : memref<!tpu.dma_semaphore, #tpu.memory_space<semaphore_mem>>) src(%dma_wait3A_24 : memref<80x125xi32, #tpu.memory_space<hbm>>) dst(%arg6 : memref<80x125xi32, #tpu.memory_space<vmem>>)
      tpu.yield
    }) : () -> ()
    %barrier3A = arith.constant 0 : index
    tpu.barrier barrier_id(%barrier3A)
    %scan3A = arith.constant 0 : i32
    %scan3A_3 = arith.constant 0 : i32
    %scan3A_4 = arith.constant 80 : i32
    %scan3A_5 = arith.addi %scan3A_3, %scan3A_4 : i32
    %scan3A_6 = arith.constant 1 : i32
    %scan3A_7 = scf.for %scan3A_10 = %scan3A_3 to %scan3A_5 step %scan3A_6 iter_args(%scan3A_11 = %scan3A) -> (i32)  : i32 {
      "tpu.region"() ({
        %run_scoped3A_13 = tpu.sem_alloc : memref<!tpu.dma_semaphore, #tpu.memory_space<semaphore_mem>>
        %dma_start3A = arith.constant 0 : i32
        %dma_start3A_14 = tpu.memref_slice %arg6[%scan3A_10, %dma_start3A] : memref<80x125xi32, #tpu.memory_space<vmem>> -> memref<1x125xi32, #tpu.memory_space<vmem>>
        %dma_start3A_15 = tpu.memref_squeeze %dma_start3A_14 : memref<1x125xi32, #tpu.memory_space<vmem>> -> memref<125xi32, #tpu.memory_space<vmem>>
        %dma_start3A_16 = arith.constant 0 : i32
        %dma_start3A_17 = arith.constant 0 : i32
        %dma_start3A_18 = tpu.memref_slice %arg8[%dma_start3A_16, %dma_start3A_17] : memref<10000x8xf32, #tpu.memory_space<vmem_shared>> -> memref<10000x8xf32, #tpu.memory_space<vmem_shared>>
        tpu.enqueue_indirect_dma source(%arg7 : memref<125x8xf32, #tpu.memory_space<vmem>>) target(%dma_start3A_18 : memref<10000x8xf32, #tpu.memory_space<vmem_shared>>) offsets(%dma_start3A_15 : memref<125xi32, #tpu.memory_space<vmem>>) semaphore(%run_scoped3A_13 : memref<!tpu.dma_semaphore, #tpu.memory_space<semaphore_mem>>) {add = true}
        %dma_wait3A = arith.constant 0 : i32
        %dma_wait3A_19 = tpu.memref_slice %arg6[%scan3A_10, %dma_wait3A] : memref<80x125xi32, #tpu.memory_space<vmem>> -> memref<1x125xi32, #tpu.memory_space<vmem>>
        %dma_wait3A_20 = tpu.memref_squeeze %dma_wait3A_19 : memref<1x125xi32, #tpu.memory_space<vmem>> -> memref<125xi32, #tpu.memory_space<vmem>>
        %dma_wait3A_21 = arith.constant 0 : i32
        %dma_wait3A_22 = arith.constant 0 : i32
        %dma_wait3A_23 = tpu.memref_slice %arg8[%dma_wait3A_21, %dma_wait3A_22] : memref<10000x8xf32, #tpu.memory_space<vmem_shared>> -> memref<10000x8xf32, #tpu.memory_space<vmem_shared>>
        tpu.wait_indirect_dma semaphore(%run_scoped3A_13 : memref<!tpu.dma_semaphore, #tpu.memory_space<semaphore_mem>>) src(%arg7 : memref<125x8xf32, #tpu.memory_space<vmem>>) dst(%dma_wait3A_23 : memref<10000x8xf32, #tpu.memory_space<vmem_shared>>)
        tpu.yield
      }) : () -> ()
      %scan3A_12 = arith.constant 0 : i32
      scf.yield %scan3A_12 : i32
    }
    %scan3A_8 = arith.constant 80 : i32
    %barrier3A_9 = arith.constant 0 : index
    tpu.barrier barrier_id(%barrier3A_9)
    "tpu.region"() ({
      %run_scoped3A_10 = tpu.sem_alloc : memref<!tpu.dma_semaphore, #tpu.memory_space<semaphore_mem>>
      %dma_start3A = arith.constant 0 : i32
      %dma_start3A_11 = tpu.memref_slice %arg5[%arg0, %mul3A_2, %dma_start3A] : memref<2x10000x8xf32, #tpu.memory_space<hbm>> -> memref<1x625x8xf32, #tpu.memory_space<hbm>>
      %dma_start3A_12 = tpu.memref_squeeze %dma_start3A_11 : memref<1x625x8xf32, #tpu.memory_space<hbm>> -> memref<625x8xf32, #tpu.memory_space<hbm>>
      %dma_start3A_13 = arith.constant 0 : i32
      %dma_start3A_14 = tpu.memref_slice %arg8[%mul3A_2, %dma_start3A_13] : memref<10000x8xf32, #tpu.memory_space<vmem_shared>> -> memref<625x8xf32, #tpu.memory_space<vmem_shared>>
      tpu.enqueue_dma source(%dma_start3A_14 : memref<625x8xf32, #tpu.memory_space<vmem_shared>>) target(%dma_start3A_12 : memref<625x8xf32, #tpu.memory_space<hbm>>) target_semaphore(%run_scoped3A_10 : memref<!tpu.dma_semaphore, #tpu.memory_space<semaphore_mem>>)
      %dma_wait3A = arith.constant 0 : i32
      %dma_wait3A_15 = tpu.memref_slice %arg5[%arg0, %mul3A_2, %dma_wait3A] : memref<2x10000x8xf32, #tpu.memory_space<hbm>> -> memref<1x625x8xf32, #tpu.memory_space<hbm>>
      %dma_wait3A_16 = tpu.memref_squeeze %dma_wait3A_15 : memref<1x625x8xf32, #tpu.memory_space<hbm>> -> memref<625x8xf32, #tpu.memory_space<hbm>>
      %dma_wait3A_17 = arith.constant 0 : i32
      %dma_wait3A_18 = tpu.memref_slice %arg8[%mul3A_2, %dma_wait3A_17] : memref<10000x8xf32, #tpu.memory_space<vmem_shared>> -> memref<625x8xf32, #tpu.memory_space<vmem_shared>>
      tpu.wait_dma2 semaphore(%run_scoped3A_10 : memref<!tpu.dma_semaphore, #tpu.memory_space<semaphore_mem>>) src(%dma_wait3A_18 : memref<625x8xf32, #tpu.memory_space<vmem_shared>>) dst(%dma_wait3A_16 : memref<625x8xf32, #tpu.memory_space<hbm>>)
      tpu.yield
    }) : () -> ()
    return
  }
}

#map = affine_map<(d0, d1) -> (0, 0)>
#map1 = affine_map<(d0, d1) -> (0, 0, 0, 0)>
#map2 = affine_map<(d0, d1) -> (0, 0, 0)>
module attributes {stable_mosaic.version = 14 : i64} {
  func.func @k(%arg0: i32, %arg1: i32, %arg2: memref<10000x40xf32, #tpu.memory_space<hbm>>, %arg3: memref<2x32x80x125xi32, #tpu.memory_space<hbm>>, %arg4: memref<625x40xf32, #tpu.memory_space<hbm>>, %arg5: memref<2x10000x40xf32, #tpu.memory_space<hbm>>, %arg6: memref<80x125xi32, #tpu.memory_space<vmem>>, %arg7: memref<80x125xi32, #tpu.memory_space<vmem>>, %arg8: memref<125x40xf32, #tpu.memory_space<vmem>>, %arg9: memref<125x40xf32, #tpu.memory_space<vmem>>, %arg10: memref<125x40xf32, #tpu.memory_space<vmem>>, %arg11: memref<125x40xf32, #tpu.memory_space<vmem>>, %arg12: memref<125x40xf32, #tpu.memory_space<vmem>>, %arg13: memref<!tpu.dma_semaphore, #tpu.memory_space<semaphore_mem>>, %arg14: memref<!tpu.dma_semaphore, #tpu.memory_space<semaphore_mem>>, %arg15: memref<!tpu.dma_semaphore, #tpu.memory_space<semaphore_mem>>, %arg16: memref<!tpu.dma_semaphore, #tpu.memory_space<semaphore_mem>>, %arg17: memref<!tpu.dma_semaphore, #tpu.memory_space<semaphore_mem>>, %arg18: memref<625x40xf32, #tpu.memory_space<vmem>>, %arg19: memref<!tpu.dma_semaphore, #tpu.memory_space<semaphore_mem>>, %arg20: memref<10000x40xf32, #tpu.memory_space<vmem_shared>>, %arg21: memref<10000x40xf32, #tpu.memory_space<vmem_shared>>) attributes {dimension_semantics = [#tpu.dimension_semantics<core_parallel>, #tpu.dimension_semantics<subcore_parallel>], iteration_bounds = array<i64: 2, 16>, scalar_prefetch = 0 : i64, scratch_operands = 16 : i64, tpu.core_type = #tpu.core_type<sc_vector_subcore>, window_params = [{transform_indices = #map}, {transform_indices = #map1}, {transform_indices = #map}, {transform_indices = #map2}]} {
    %mul3A = arith.constant 2 : i32
    %mul3A_0 = arith.muli %arg1, %mul3A : i32
    %add3A = arith.addi %mul3A_0, %arg0 : i32
    %mul3A_1 = arith.constant 625 : i32
    %mul3A_2 = arith.muli %arg1, %mul3A_1 : i32
    %dma_start3A = arith.constant 0 : i32
    %dma_start3A_3 = tpu.memref_slice %arg2[%mul3A_2, %dma_start3A] : memref<10000x40xf32, #tpu.memory_space<hbm>> -> memref<625x40xf32, #tpu.memory_space<hbm>>
    %dma_start3A_4 = arith.constant 0 : i32
    %dma_start3A_5 = tpu.memref_slice %arg2[%mul3A_2, %dma_start3A_4] : memref<10000x40xf32, #tpu.memory_space<hbm>> -> memref<625x40xf32, #tpu.memory_space<hbm>>
    tpu.enqueue_dma source(%dma_start3A_5 : memref<625x40xf32, #tpu.memory_space<hbm>>) target(%arg18 : memref<625x40xf32, #tpu.memory_space<vmem>>) target_semaphore(%arg19 : memref<!tpu.dma_semaphore, #tpu.memory_space<semaphore_mem>>)
    "tpu.region"() ({
      %run_scoped3A_52 = tpu.sem_alloc : memref<!tpu.dma_semaphore, #tpu.memory_space<semaphore_mem>>
      %dma_start3A_53 = arith.constant 0 : i32
      %dma_start3A_54 = tpu.memref_slice %arg21[%mul3A_2, %dma_start3A_53] : memref<10000x40xf32, #tpu.memory_space<vmem_shared>> -> memref<625x40xf32, #tpu.memory_space<vmem_shared>>
      tpu.enqueue_dma source(%arg4 : memref<625x40xf32, #tpu.memory_space<hbm>>) target(%dma_start3A_54 : memref<625x40xf32, #tpu.memory_space<vmem_shared>>) target_semaphore(%run_scoped3A_52 : memref<!tpu.dma_semaphore, #tpu.memory_space<semaphore_mem>>)
      %dma_wait3A_55 = arith.constant 0 : i32
      %dma_wait3A_56 = tpu.memref_slice %arg21[%mul3A_2, %dma_wait3A_55] : memref<10000x40xf32, #tpu.memory_space<vmem_shared>> -> memref<625x40xf32, #tpu.memory_space<vmem_shared>>
      tpu.wait_dma2 semaphore(%run_scoped3A_52 : memref<!tpu.dma_semaphore, #tpu.memory_space<semaphore_mem>>) src(%arg4 : memref<625x40xf32, #tpu.memory_space<hbm>>) dst(%dma_wait3A_56 : memref<625x40xf32, #tpu.memory_space<vmem_shared>>)
      tpu.yield
    }) : () -> ()
    %run_scoped3A = arith.constant 0 : i32
    "tpu.region"() ({
      %run_scoped3A_52 = tpu.sem_alloc : memref<!tpu.dma_semaphore, #tpu.memory_space<semaphore_mem>>
      %dma_start3A_53 = arith.constant 0 : i32
      %dma_start3A_54 = arith.constant 0 : i32
      %dma_start3A_55 = tpu.memref_slice %arg3[%run_scoped3A, %add3A, %dma_start3A_53, %dma_start3A_54] : memref<2x32x80x125xi32, #tpu.memory_space<hbm>> -> memref<1x1x80x125xi32, #tpu.memory_space<hbm>>
      %dma_start3A_56 = tpu.memref_squeeze %dma_start3A_55 : memref<1x1x80x125xi32, #tpu.memory_space<hbm>> -> memref<80x125xi32, #tpu.memory_space<hbm>>
      %dma_start3A_57 = arith.constant 0 : i32
      %dma_start3A_58 = arith.constant 0 : i32
      %dma_start3A_59 = tpu.memref_slice %arg3[%run_scoped3A, %add3A, %dma_start3A_57, %dma_start3A_58] : memref<2x32x80x125xi32, #tpu.memory_space<hbm>> -> memref<1x1x80x125xi32, #tpu.memory_space<hbm>>
      %dma_start3A_60 = tpu.memref_squeeze %dma_start3A_59 : memref<1x1x80x125xi32, #tpu.memory_space<hbm>> -> memref<80x125xi32, #tpu.memory_space<hbm>>
      tpu.enqueue_dma source(%dma_start3A_60 : memref<80x125xi32, #tpu.memory_space<hbm>>) target(%arg6 : memref<80x125xi32, #tpu.memory_space<vmem>>) target_semaphore(%run_scoped3A_52 : memref<!tpu.dma_semaphore, #tpu.memory_space<semaphore_mem>>)
      %dma_wait3A_61 = arith.constant 0 : i32
      %dma_wait3A_62 = arith.constant 0 : i32
      %dma_wait3A_63 = tpu.memref_slice %arg3[%run_scoped3A, %add3A, %dma_wait3A_61, %dma_wait3A_62] : memref<2x32x80x125xi32, #tpu.memory_space<hbm>> -> memref<1x1x80x125xi32, #tpu.memory_space<hbm>>
      %dma_wait3A_64 = tpu.memref_squeeze %dma_wait3A_63 : memref<1x1x80x125xi32, #tpu.memory_space<hbm>> -> memref<80x125xi32, #tpu.memory_space<hbm>>
      %dma_wait3A_65 = arith.constant 0 : i32
      %dma_wait3A_66 = arith.constant 0 : i32
      %dma_wait3A_67 = tpu.memref_slice %arg3[%run_scoped3A, %add3A, %dma_wait3A_65, %dma_wait3A_66] : memref<2x32x80x125xi32, #tpu.memory_space<hbm>> -> memref<1x1x80x125xi32, #tpu.memory_space<hbm>>
      %dma_wait3A_68 = tpu.memref_squeeze %dma_wait3A_67 : memref<1x1x80x125xi32, #tpu.memory_space<hbm>> -> memref<80x125xi32, #tpu.memory_space<hbm>>
      tpu.wait_dma2 semaphore(%run_scoped3A_52 : memref<!tpu.dma_semaphore, #tpu.memory_space<semaphore_mem>>) src(%dma_wait3A_68 : memref<80x125xi32, #tpu.memory_space<hbm>>) dst(%arg6 : memref<80x125xi32, #tpu.memory_space<vmem>>)
      tpu.yield
    }) : () -> ()
    %run_scoped3A_6 = arith.constant 1 : i32
    "tpu.region"() ({
      %run_scoped3A_52 = tpu.sem_alloc : memref<!tpu.dma_semaphore, #tpu.memory_space<semaphore_mem>>
      %dma_start3A_53 = arith.constant 0 : i32
      %dma_start3A_54 = arith.constant 0 : i32
      %dma_start3A_55 = tpu.memref_slice %arg3[%run_scoped3A_6, %add3A, %dma_start3A_53, %dma_start3A_54] : memref<2x32x80x125xi32, #tpu.memory_space<hbm>> -> memref<1x1x80x125xi32, #tpu.memory_space<hbm>>
      %dma_start3A_56 = tpu.memref_squeeze %dma_start3A_55 : memref<1x1x80x125xi32, #tpu.memory_space<hbm>> -> memref<80x125xi32, #tpu.memory_space<hbm>>
      %dma_start3A_57 = arith.constant 0 : i32
      %dma_start3A_58 = arith.constant 0 : i32
      %dma_start3A_59 = tpu.memref_slice %arg3[%run_scoped3A_6, %add3A, %dma_start3A_57, %dma_start3A_58] : memref<2x32x80x125xi32, #tpu.memory_space<hbm>> -> memref<1x1x80x125xi32, #tpu.memory_space<hbm>>
      %dma_start3A_60 = tpu.memref_squeeze %dma_start3A_59 : memref<1x1x80x125xi32, #tpu.memory_space<hbm>> -> memref<80x125xi32, #tpu.memory_space<hbm>>
      tpu.enqueue_dma source(%dma_start3A_60 : memref<80x125xi32, #tpu.memory_space<hbm>>) target(%arg7 : memref<80x125xi32, #tpu.memory_space<vmem>>) target_semaphore(%run_scoped3A_52 : memref<!tpu.dma_semaphore, #tpu.memory_space<semaphore_mem>>)
      %dma_wait3A_61 = arith.constant 0 : i32
      %dma_wait3A_62 = arith.constant 0 : i32
      %dma_wait3A_63 = tpu.memref_slice %arg3[%run_scoped3A_6, %add3A, %dma_wait3A_61, %dma_wait3A_62] : memref<2x32x80x125xi32, #tpu.memory_space<hbm>> -> memref<1x1x80x125xi32, #tpu.memory_space<hbm>>
      %dma_wait3A_64 = tpu.memref_squeeze %dma_wait3A_63 : memref<1x1x80x125xi32, #tpu.memory_space<hbm>> -> memref<80x125xi32, #tpu.memory_space<hbm>>
      %dma_wait3A_65 = arith.constant 0 : i32
      %dma_wait3A_66 = arith.constant 0 : i32
      %dma_wait3A_67 = tpu.memref_slice %arg3[%run_scoped3A_6, %add3A, %dma_wait3A_65, %dma_wait3A_66] : memref<2x32x80x125xi32, #tpu.memory_space<hbm>> -> memref<1x1x80x125xi32, #tpu.memory_space<hbm>>
      %dma_wait3A_68 = tpu.memref_squeeze %dma_wait3A_67 : memref<1x1x80x125xi32, #tpu.memory_space<hbm>> -> memref<80x125xi32, #tpu.memory_space<hbm>>
      tpu.wait_dma2 semaphore(%run_scoped3A_52 : memref<!tpu.dma_semaphore, #tpu.memory_space<semaphore_mem>>) src(%dma_wait3A_68 : memref<80x125xi32, #tpu.memory_space<hbm>>) dst(%arg7 : memref<80x125xi32, #tpu.memory_space<vmem>>)
      tpu.yield
    }) : () -> ()
    %dma_wait3A = arith.constant 0 : i32
    %dma_wait3A_7 = tpu.memref_slice %arg2[%mul3A_2, %dma_wait3A] : memref<10000x40xf32, #tpu.memory_space<hbm>> -> memref<625x40xf32, #tpu.memory_space<hbm>>
    %dma_wait3A_8 = arith.constant 0 : i32
    %dma_wait3A_9 = tpu.memref_slice %arg2[%mul3A_2, %dma_wait3A_8] : memref<10000x40xf32, #tpu.memory_space<hbm>> -> memref<625x40xf32, #tpu.memory_space<hbm>>
    tpu.wait_dma2 semaphore(%arg19 : memref<!tpu.dma_semaphore, #tpu.memory_space<semaphore_mem>>) src(%dma_wait3A_9 : memref<625x40xf32, #tpu.memory_space<hbm>>) dst(%arg18 : memref<625x40xf32, #tpu.memory_space<vmem>>)
    "tpu.region"() ({
      %run_scoped3A_52 = tpu.sem_alloc : memref<!tpu.dma_semaphore, #tpu.memory_space<semaphore_mem>>
      %dma_start3A_53 = arith.constant 0 : i32
      %dma_start3A_54 = tpu.memref_slice %arg20[%mul3A_2, %dma_start3A_53] : memref<10000x40xf32, #tpu.memory_space<vmem_shared>> -> memref<625x40xf32, #tpu.memory_space<vmem_shared>>
      %dma_start3A_55 = arith.constant 0 : i32
      %dma_start3A_56 = tpu.memref_slice %arg20[%mul3A_2, %dma_start3A_55] : memref<10000x40xf32, #tpu.memory_space<vmem_shared>> -> memref<625x40xf32, #tpu.memory_space<vmem_shared>>
      tpu.enqueue_dma source(%arg18 : memref<625x40xf32, #tpu.memory_space<vmem>>) target(%dma_start3A_56 : memref<625x40xf32, #tpu.memory_space<vmem_shared>>) target_semaphore(%run_scoped3A_52 : memref<!tpu.dma_semaphore, #tpu.memory_space<semaphore_mem>>)
      %dma_wait3A_57 = arith.constant 0 : i32
      %dma_wait3A_58 = tpu.memref_slice %arg20[%mul3A_2, %dma_wait3A_57] : memref<10000x40xf32, #tpu.memory_space<vmem_shared>> -> memref<625x40xf32, #tpu.memory_space<vmem_shared>>
      %dma_wait3A_59 = arith.constant 0 : i32
      %dma_wait3A_60 = tpu.memref_slice %arg20[%mul3A_2, %dma_wait3A_59] : memref<10000x40xf32, #tpu.memory_space<vmem_shared>> -> memref<625x40xf32, #tpu.memory_space<vmem_shared>>
      tpu.wait_dma2 semaphore(%run_scoped3A_52 : memref<!tpu.dma_semaphore, #tpu.memory_space<semaphore_mem>>) src(%arg18 : memref<625x40xf32, #tpu.memory_space<vmem>>) dst(%dma_wait3A_60 : memref<625x40xf32, #tpu.memory_space<vmem_shared>>)
      tpu.yield
    }) : () -> ()
    %barrier3A = arith.constant 0 : index
    tpu.barrier barrier_id(%barrier3A)
    %dma_start3A_10 = arith.constant 0 : i32
    %dma_start3A_11 = arith.constant 0 : i32
    %dma_start3A_12 = tpu.memref_slice %arg6[%dma_start3A_10, %dma_start3A_11] : memref<80x125xi32, #tpu.memory_space<vmem>> -> memref<1x125xi32, #tpu.memory_space<vmem>>
    %dma_start3A_13 = tpu.memref_squeeze %dma_start3A_12 : memref<1x125xi32, #tpu.memory_space<vmem>> -> memref<125xi32, #tpu.memory_space<vmem>>
    %dma_start3A_14 = arith.constant 0 : i32
    %dma_start3A_15 = arith.constant 0 : i32
    %dma_start3A_16 = tpu.memref_slice %arg20[%dma_start3A_14, %dma_start3A_15] : memref<10000x40xf32, #tpu.memory_space<vmem_shared>> -> memref<10000x40xf32, #tpu.memory_space<vmem_shared>>
    tpu.enqueue_indirect_dma source(%dma_start3A_16 : memref<10000x40xf32, #tpu.memory_space<vmem_shared>>) target(%arg8 : memref<125x40xf32, #tpu.memory_space<vmem>>) offsets(%dma_start3A_13 : memref<125xi32, #tpu.memory_space<vmem>>) semaphore(%arg13 : memref<!tpu.dma_semaphore, #tpu.memory_space<semaphore_mem>>)
    %dma_start3A_17 = arith.constant 1 : i32
    %dma_start3A_18 = arith.constant 0 : i32
    %dma_start3A_19 = tpu.memref_slice %arg6[%dma_start3A_17, %dma_start3A_18] : memref<80x125xi32, #tpu.memory_space<vmem>> -> memref<1x125xi32, #tpu.memory_space<vmem>>
    %dma_start3A_20 = tpu.memref_squeeze %dma_start3A_19 : memref<1x125xi32, #tpu.memory_space<vmem>> -> memref<125xi32, #tpu.memory_space<vmem>>
    %dma_start3A_21 = arith.constant 0 : i32
    %dma_start3A_22 = arith.constant 0 : i32
    %dma_start3A_23 = tpu.memref_slice %arg20[%dma_start3A_21, %dma_start3A_22] : memref<10000x40xf32, #tpu.memory_space<vmem_shared>> -> memref<10000x40xf32, #tpu.memory_space<vmem_shared>>
    tpu.enqueue_indirect_dma source(%dma_start3A_23 : memref<10000x40xf32, #tpu.memory_space<vmem_shared>>) target(%arg9 : memref<125x40xf32, #tpu.memory_space<vmem>>) offsets(%dma_start3A_20 : memref<125xi32, #tpu.memory_space<vmem>>) semaphore(%arg14 : memref<!tpu.dma_semaphore, #tpu.memory_space<semaphore_mem>>)
    %dma_start3A_24 = arith.constant 2 : i32
    %dma_start3A_25 = arith.constant 0 : i32
    %dma_start3A_26 = tpu.memref_slice %arg6[%dma_start3A_24, %dma_start3A_25] : memref<80x125xi32, #tpu.memory_space<vmem>> -> memref<1x125xi32, #tpu.memory_space<vmem>>
    %dma_start3A_27 = tpu.memref_squeeze %dma_start3A_26 : memref<1x125xi32, #tpu.memory_space<vmem>> -> memref<125xi32, #tpu.memory_space<vmem>>
    %dma_start3A_28 = arith.constant 0 : i32
    %dma_start3A_29 = arith.constant 0 : i32
    %dma_start3A_30 = tpu.memref_slice %arg20[%dma_start3A_28, %dma_start3A_29] : memref<10000x40xf32, #tpu.memory_space<vmem_shared>> -> memref<10000x40xf32, #tpu.memory_space<vmem_shared>>
    tpu.enqueue_indirect_dma source(%dma_start3A_30 : memref<10000x40xf32, #tpu.memory_space<vmem_shared>>) target(%arg10 : memref<125x40xf32, #tpu.memory_space<vmem>>) offsets(%dma_start3A_27 : memref<125xi32, #tpu.memory_space<vmem>>) semaphore(%arg15 : memref<!tpu.dma_semaphore, #tpu.memory_space<semaphore_mem>>)
    %dma_start3A_31 = arith.constant 3 : i32
    %dma_start3A_32 = arith.constant 0 : i32
    %dma_start3A_33 = tpu.memref_slice %arg6[%dma_start3A_31, %dma_start3A_32] : memref<80x125xi32, #tpu.memory_space<vmem>> -> memref<1x125xi32, #tpu.memory_space<vmem>>
    %dma_start3A_34 = tpu.memref_squeeze %dma_start3A_33 : memref<1x125xi32, #tpu.memory_space<vmem>> -> memref<125xi32, #tpu.memory_space<vmem>>
    %dma_start3A_35 = arith.constant 0 : i32
    %dma_start3A_36 = arith.constant 0 : i32
    %dma_start3A_37 = tpu.memref_slice %arg20[%dma_start3A_35, %dma_start3A_36] : memref<10000x40xf32, #tpu.memory_space<vmem_shared>> -> memref<10000x40xf32, #tpu.memory_space<vmem_shared>>
    tpu.enqueue_indirect_dma source(%dma_start3A_37 : memref<10000x40xf32, #tpu.memory_space<vmem_shared>>) target(%arg11 : memref<125x40xf32, #tpu.memory_space<vmem>>) offsets(%dma_start3A_34 : memref<125xi32, #tpu.memory_space<vmem>>) semaphore(%arg16 : memref<!tpu.dma_semaphore, #tpu.memory_space<semaphore_mem>>)
    %dma_start3A_38 = arith.constant 4 : i32
    %dma_start3A_39 = arith.constant 0 : i32
    %dma_start3A_40 = tpu.memref_slice %arg6[%dma_start3A_38, %dma_start3A_39] : memref<80x125xi32, #tpu.memory_space<vmem>> -> memref<1x125xi32, #tpu.memory_space<vmem>>
    %dma_start3A_41 = tpu.memref_squeeze %dma_start3A_40 : memref<1x125xi32, #tpu.memory_space<vmem>> -> memref<125xi32, #tpu.memory_space<vmem>>
    %dma_start3A_42 = arith.constant 0 : i32
    %dma_start3A_43 = arith.constant 0 : i32
    %dma_start3A_44 = tpu.memref_slice %arg20[%dma_start3A_42, %dma_start3A_43] : memref<10000x40xf32, #tpu.memory_space<vmem_shared>> -> memref<10000x40xf32, #tpu.memory_space<vmem_shared>>
    tpu.enqueue_indirect_dma source(%dma_start3A_44 : memref<10000x40xf32, #tpu.memory_space<vmem_shared>>) target(%arg12 : memref<125x40xf32, #tpu.memory_space<vmem>>) offsets(%dma_start3A_41 : memref<125xi32, #tpu.memory_space<vmem>>) semaphore(%arg17 : memref<!tpu.dma_semaphore, #tpu.memory_space<semaphore_mem>>)
    %scan3A = arith.constant 0 : i32
    %scan3A_45 = arith.constant 0 : i32
    %scan3A_46 = arith.constant 16 : i32
    %scan3A_47 = arith.addi %scan3A_45, %scan3A_46 : i32
    %scan3A_48 = arith.constant 1 : i32
    %scan3A_49 = scf.for %scan3A_52 = %scan3A_45 to %scan3A_47 step %scan3A_48 iter_args(%scan3A_53 = %scan3A) -> (i32)  : i32 {
      %mul3A_54 = arith.constant 5 : i32
      %mul3A_55 = arith.muli %scan3A_52, %mul3A_54 : i32
      %add3A_56 = arith.constant 0 : i32
      %add3A_57 = arith.addi %mul3A_55, %add3A_56 : i32
      %dma_wait3A_58 = arith.constant 0 : i32
      %dma_wait3A_59 = tpu.memref_slice %arg6[%add3A_57, %dma_wait3A_58] : memref<80x125xi32, #tpu.memory_space<vmem>> -> memref<1x125xi32, #tpu.memory_space<vmem>>
      %dma_wait3A_60 = tpu.memref_squeeze %dma_wait3A_59 : memref<1x125xi32, #tpu.memory_space<vmem>> -> memref<125xi32, #tpu.memory_space<vmem>>
      %dma_wait3A_61 = arith.constant 0 : i32
      %dma_wait3A_62 = arith.constant 0 : i32
      %dma_wait3A_63 = tpu.memref_slice %arg20[%dma_wait3A_61, %dma_wait3A_62] : memref<10000x40xf32, #tpu.memory_space<vmem_shared>> -> memref<10000x40xf32, #tpu.memory_space<vmem_shared>>
      tpu.wait_indirect_dma semaphore(%arg13 : memref<!tpu.dma_semaphore, #tpu.memory_space<semaphore_mem>>) src(%dma_wait3A_63 : memref<10000x40xf32, #tpu.memory_space<vmem_shared>>) dst(%arg8 : memref<125x40xf32, #tpu.memory_space<vmem>>)
      "tpu.region"() ({
        %run_scoped3A_129 = tpu.sem_alloc : memref<!tpu.dma_semaphore, #tpu.memory_space<semaphore_mem>>
        %dma_start3A_130 = arith.constant 0 : i32
        %dma_start3A_131 = tpu.memref_slice %arg7[%add3A_57, %dma_start3A_130] : memref<80x125xi32, #tpu.memory_space<vmem>> -> memref<1x125xi32, #tpu.memory_space<vmem>>
        %dma_start3A_132 = tpu.memref_squeeze %dma_start3A_131 : memref<1x125xi32, #tpu.memory_space<vmem>> -> memref<125xi32, #tpu.memory_space<vmem>>
        %dma_start3A_133 = arith.constant 0 : i32
        %dma_start3A_134 = arith.constant 0 : i32
        %dma_start3A_135 = tpu.memref_slice %arg21[%dma_start3A_133, %dma_start3A_134] : memref<10000x40xf32, #tpu.memory_space<vmem_shared>> -> memref<10000x40xf32, #tpu.memory_space<vmem_shared>>
        tpu.enqueue_indirect_dma source(%arg8 : memref<125x40xf32, #tpu.memory_space<vmem>>) target(%dma_start3A_135 : memref<10000x40xf32, #tpu.memory_space<vmem_shared>>) offsets(%dma_start3A_132 : memref<125xi32, #tpu.memory_space<vmem>>) semaphore(%run_scoped3A_129 : memref<!tpu.dma_semaphore, #tpu.memory_space<semaphore_mem>>) {add = true}
        %dma_wait3A_136 = arith.constant 0 : i32
        %dma_wait3A_137 = tpu.memref_slice %arg7[%add3A_57, %dma_wait3A_136] : memref<80x125xi32, #tpu.memory_space<vmem>> -> memref<1x125xi32, #tpu.memory_space<vmem>>
        %dma_wait3A_138 = tpu.memref_squeeze %dma_wait3A_137 : memref<1x125xi32, #tpu.memory_space<vmem>> -> memref<125xi32, #tpu.memory_space<vmem>>
        %dma_wait3A_139 = arith.constant 0 : i32
        %dma_wait3A_140 = arith.constant 0 : i32
        %dma_wait3A_141 = tpu.memref_slice %arg21[%dma_wait3A_139, %dma_wait3A_140] : memref<10000x40xf32, #tpu.memory_space<vmem_shared>> -> memref<10000x40xf32, #tpu.memory_space<vmem_shared>>
        tpu.wait_indirect_dma semaphore(%run_scoped3A_129 : memref<!tpu.dma_semaphore, #tpu.memory_space<semaphore_mem>>) src(%arg8 : memref<125x40xf32, #tpu.memory_space<vmem>>) dst(%dma_wait3A_141 : memref<10000x40xf32, #tpu.memory_space<vmem_shared>>)
        tpu.yield
      }) : () -> ()
      %add3A_64 = arith.constant 5 : i32
      %add3A_65 = arith.addi %add3A_57, %add3A_64 : i32
      %lt3A = arith.constant 80 : i32
      %lt3A_66 = arith.cmpi slt, %add3A_65, %lt3A : i32
      %convert_element_type3A = arith.extui %lt3A_66 : i1 to i32
      %cond3A = arith.constant 0 : i32
      %cond3A_67 = arith.cmpi ne, %convert_element_type3A, %cond3A : i32
      scf.if %cond3A_67 {
        %dma_start3A_129 = arith.constant 0 : i32
        %dma_start3A_130 = tpu.memref_slice %arg6[%add3A_65, %dma_start3A_129] : memref<80x125xi32, #tpu.memory_space<vmem>> -> memref<1x125xi32, #tpu.memory_space<vmem>>
        %dma_start3A_131 = tpu.memref_squeeze %dma_start3A_130 : memref<1x125xi32, #tpu.memory_space<vmem>> -> memref<125xi32, #tpu.memory_space<vmem>>
        %dma_start3A_132 = arith.constant 0 : i32
        %dma_start3A_133 = arith.constant 0 : i32
        %dma_start3A_134 = tpu.memref_slice %arg20[%dma_start3A_132, %dma_start3A_133] : memref<10000x40xf32, #tpu.memory_space<vmem_shared>> -> memref<10000x40xf32, #tpu.memory_space<vmem_shared>>
        tpu.enqueue_indirect_dma source(%dma_start3A_134 : memref<10000x40xf32, #tpu.memory_space<vmem_shared>>) target(%arg8 : memref<125x40xf32, #tpu.memory_space<vmem>>) offsets(%dma_start3A_131 : memref<125xi32, #tpu.memory_space<vmem>>) semaphore(%arg13 : memref<!tpu.dma_semaphore, #tpu.memory_space<semaphore_mem>>)
      } else {
      }
      %add3A_68 = arith.constant 1 : i32
      %add3A_69 = arith.addi %mul3A_55, %add3A_68 : i32
      %dma_wait3A_70 = arith.constant 0 : i32
      %dma_wait3A_71 = tpu.memref_slice %arg6[%add3A_69, %dma_wait3A_70] : memref<80x125xi32, #tpu.memory_space<vmem>> -> memref<1x125xi32, #tpu.memory_space<vmem>>
      %dma_wait3A_72 = tpu.memref_squeeze %dma_wait3A_71 : memref<1x125xi32, #tpu.memory_space<vmem>> -> memref<125xi32, #tpu.memory_space<vmem>>
      %dma_wait3A_73 = arith.constant 0 : i32
      %dma_wait3A_74 = arith.constant 0 : i32
      %dma_wait3A_75 = tpu.memref_slice %arg20[%dma_wait3A_73, %dma_wait3A_74] : memref<10000x40xf32, #tpu.memory_space<vmem_shared>> -> memref<10000x40xf32, #tpu.memory_space<vmem_shared>>
      tpu.wait_indirect_dma semaphore(%arg14 : memref<!tpu.dma_semaphore, #tpu.memory_space<semaphore_mem>>) src(%dma_wait3A_75 : memref<10000x40xf32, #tpu.memory_space<vmem_shared>>) dst(%arg9 : memref<125x40xf32, #tpu.memory_space<vmem>>)
      "tpu.region"() ({
        %run_scoped3A_129 = tpu.sem_alloc : memref<!tpu.dma_semaphore, #tpu.memory_space<semaphore_mem>>
        %dma_start3A_130 = arith.constant 0 : i32
        %dma_start3A_131 = tpu.memref_slice %arg7[%add3A_69, %dma_start3A_130] : memref<80x125xi32, #tpu.memory_space<vmem>> -> memref<1x125xi32, #tpu.memory_space<vmem>>
        %dma_start3A_132 = tpu.memref_squeeze %dma_start3A_131 : memref<1x125xi32, #tpu.memory_space<vmem>> -> memref<125xi32, #tpu.memory_space<vmem>>
        %dma_start3A_133 = arith.constant 0 : i32
        %dma_start3A_134 = arith.constant 0 : i32
        %dma_start3A_135 = tpu.memref_slice %arg21[%dma_start3A_133, %dma_start3A_134] : memref<10000x40xf32, #tpu.memory_space<vmem_shared>> -> memref<10000x40xf32, #tpu.memory_space<vmem_shared>>
        tpu.enqueue_indirect_dma source(%arg9 : memref<125x40xf32, #tpu.memory_space<vmem>>) target(%dma_start3A_135 : memref<10000x40xf32, #tpu.memory_space<vmem_shared>>) offsets(%dma_start3A_132 : memref<125xi32, #tpu.memory_space<vmem>>) semaphore(%run_scoped3A_129 : memref<!tpu.dma_semaphore, #tpu.memory_space<semaphore_mem>>) {add = true}
        %dma_wait3A_136 = arith.constant 0 : i32
        %dma_wait3A_137 = tpu.memref_slice %arg7[%add3A_69, %dma_wait3A_136] : memref<80x125xi32, #tpu.memory_space<vmem>> -> memref<1x125xi32, #tpu.memory_space<vmem>>
        %dma_wait3A_138 = tpu.memref_squeeze %dma_wait3A_137 : memref<1x125xi32, #tpu.memory_space<vmem>> -> memref<125xi32, #tpu.memory_space<vmem>>
        %dma_wait3A_139 = arith.constant 0 : i32
        %dma_wait3A_140 = arith.constant 0 : i32
        %dma_wait3A_141 = tpu.memref_slice %arg21[%dma_wait3A_139, %dma_wait3A_140] : memref<10000x40xf32, #tpu.memory_space<vmem_shared>> -> memref<10000x40xf32, #tpu.memory_space<vmem_shared>>
        tpu.wait_indirect_dma semaphore(%run_scoped3A_129 : memref<!tpu.dma_semaphore, #tpu.memory_space<semaphore_mem>>) src(%arg9 : memref<125x40xf32, #tpu.memory_space<vmem>>) dst(%dma_wait3A_141 : memref<10000x40xf32, #tpu.memory_space<vmem_shared>>)
        tpu.yield
      }) : () -> ()
      %add3A_76 = arith.constant 5 : i32
      %add3A_77 = arith.addi %add3A_69, %add3A_76 : i32
      %lt3A_78 = arith.constant 80 : i32
      %lt3A_79 = arith.cmpi slt, %add3A_77, %lt3A_78 : i32
      %convert_element_type3A_80 = arith.extui %lt3A_79 : i1 to i32
      %cond3A_81 = arith.constant 0 : i32
      %cond3A_82 = arith.cmpi ne, %convert_element_type3A_80, %cond3A_81 : i32
      scf.if %cond3A_82 {
        %dma_start3A_129 = arith.constant 0 : i32
        %dma_start3A_130 = tpu.memref_slice %arg6[%add3A_77, %dma_start3A_129] : memref<80x125xi32, #tpu.memory_space<vmem>> -> memref<1x125xi32, #tpu.memory_space<vmem>>
        %dma_start3A_131 = tpu.memref_squeeze %dma_start3A_130 : memref<1x125xi32, #tpu.memory_space<vmem>> -> memref<125xi32, #tpu.memory_space<vmem>>
        %dma_start3A_132 = arith.constant 0 : i32
        %dma_start3A_133 = arith.constant 0 : i32
        %dma_start3A_134 = tpu.memref_slice %arg20[%dma_start3A_132, %dma_start3A_133] : memref<10000x40xf32, #tpu.memory_space<vmem_shared>> -> memref<10000x40xf32, #tpu.memory_space<vmem_shared>>
        tpu.enqueue_indirect_dma source(%dma_start3A_134 : memref<10000x40xf32, #tpu.memory_space<vmem_shared>>) target(%arg9 : memref<125x40xf32, #tpu.memory_space<vmem>>) offsets(%dma_start3A_131 : memref<125xi32, #tpu.memory_space<vmem>>) semaphore(%arg14 : memref<!tpu.dma_semaphore, #tpu.memory_space<semaphore_mem>>)
      } else {
      }
      %add3A_83 = arith.constant 2 : i32
      %add3A_84 = arith.addi %mul3A_55, %add3A_83 : i32
      %dma_wait3A_85 = arith.constant 0 : i32
      %dma_wait3A_86 = tpu.memref_slice %arg6[%add3A_84, %dma_wait3A_85] : memref<80x125xi32, #tpu.memory_space<vmem>> -> memref<1x125xi32, #tpu.memory_space<vmem>>
      %dma_wait3A_87 = tpu.memref_squeeze %dma_wait3A_86 : memref<1x125xi32, #tpu.memory_space<vmem>> -> memref<125xi32, #tpu.memory_space<vmem>>
      %dma_wait3A_88 = arith.constant 0 : i32
      %dma_wait3A_89 = arith.constant 0 : i32
      %dma_wait3A_90 = tpu.memref_slice %arg20[%dma_wait3A_88, %dma_wait3A_89] : memref<10000x40xf32, #tpu.memory_space<vmem_shared>> -> memref<10000x40xf32, #tpu.memory_space<vmem_shared>>
      tpu.wait_indirect_dma semaphore(%arg15 : memref<!tpu.dma_semaphore, #tpu.memory_space<semaphore_mem>>) src(%dma_wait3A_90 : memref<10000x40xf32, #tpu.memory_space<vmem_shared>>) dst(%arg10 : memref<125x40xf32, #tpu.memory_space<vmem>>)
      "tpu.region"() ({
        %run_scoped3A_129 = tpu.sem_alloc : memref<!tpu.dma_semaphore, #tpu.memory_space<semaphore_mem>>
        %dma_start3A_130 = arith.constant 0 : i32
        %dma_start3A_131 = tpu.memref_slice %arg7[%add3A_84, %dma_start3A_130] : memref<80x125xi32, #tpu.memory_space<vmem>> -> memref<1x125xi32, #tpu.memory_space<vmem>>
        %dma_start3A_132 = tpu.memref_squeeze %dma_start3A_131 : memref<1x125xi32, #tpu.memory_space<vmem>> -> memref<125xi32, #tpu.memory_space<vmem>>
        %dma_start3A_133 = arith.constant 0 : i32
        %dma_start3A_134 = arith.constant 0 : i32
        %dma_start3A_135 = tpu.memref_slice %arg21[%dma_start3A_133, %dma_start3A_134] : memref<10000x40xf32, #tpu.memory_space<vmem_shared>> -> memref<10000x40xf32, #tpu.memory_space<vmem_shared>>
        tpu.enqueue_indirect_dma source(%arg10 : memref<125x40xf32, #tpu.memory_space<vmem>>) target(%dma_start3A_135 : memref<10000x40xf32, #tpu.memory_space<vmem_shared>>) offsets(%dma_start3A_132 : memref<125xi32, #tpu.memory_space<vmem>>) semaphore(%run_scoped3A_129 : memref<!tpu.dma_semaphore, #tpu.memory_space<semaphore_mem>>) {add = true}
        %dma_wait3A_136 = arith.constant 0 : i32
        %dma_wait3A_137 = tpu.memref_slice %arg7[%add3A_84, %dma_wait3A_136] : memref<80x125xi32, #tpu.memory_space<vmem>> -> memref<1x125xi32, #tpu.memory_space<vmem>>
        %dma_wait3A_138 = tpu.memref_squeeze %dma_wait3A_137 : memref<1x125xi32, #tpu.memory_space<vmem>> -> memref<125xi32, #tpu.memory_space<vmem>>
        %dma_wait3A_139 = arith.constant 0 : i32
        %dma_wait3A_140 = arith.constant 0 : i32
        %dma_wait3A_141 = tpu.memref_slice %arg21[%dma_wait3A_139, %dma_wait3A_140] : memref<10000x40xf32, #tpu.memory_space<vmem_shared>> -> memref<10000x40xf32, #tpu.memory_space<vmem_shared>>
        tpu.wait_indirect_dma semaphore(%run_scoped3A_129 : memref<!tpu.dma_semaphore, #tpu.memory_space<semaphore_mem>>) src(%arg10 : memref<125x40xf32, #tpu.memory_space<vmem>>) dst(%dma_wait3A_141 : memref<10000x40xf32, #tpu.memory_space<vmem_shared>>)
        tpu.yield
      }) : () -> ()
      %add3A_91 = arith.constant 5 : i32
      %add3A_92 = arith.addi %add3A_84, %add3A_91 : i32
      %lt3A_93 = arith.constant 80 : i32
      %lt3A_94 = arith.cmpi slt, %add3A_92, %lt3A_93 : i32
      %convert_element_type3A_95 = arith.extui %lt3A_94 : i1 to i32
      %cond3A_96 = arith.constant 0 : i32
      %cond3A_97 = arith.cmpi ne, %convert_element_type3A_95, %cond3A_96 : i32
      scf.if %cond3A_97 {
        %dma_start3A_129 = arith.constant 0 : i32
        %dma_start3A_130 = tpu.memref_slice %arg6[%add3A_92, %dma_start3A_129] : memref<80x125xi32, #tpu.memory_space<vmem>> -> memref<1x125xi32, #tpu.memory_space<vmem>>
        %dma_start3A_131 = tpu.memref_squeeze %dma_start3A_130 : memref<1x125xi32, #tpu.memory_space<vmem>> -> memref<125xi32, #tpu.memory_space<vmem>>
        %dma_start3A_132 = arith.constant 0 : i32
        %dma_start3A_133 = arith.constant 0 : i32
        %dma_start3A_134 = tpu.memref_slice %arg20[%dma_start3A_132, %dma_start3A_133] : memref<10000x40xf32, #tpu.memory_space<vmem_shared>> -> memref<10000x40xf32, #tpu.memory_space<vmem_shared>>
        tpu.enqueue_indirect_dma source(%dma_start3A_134 : memref<10000x40xf32, #tpu.memory_space<vmem_shared>>) target(%arg10 : memref<125x40xf32, #tpu.memory_space<vmem>>) offsets(%dma_start3A_131 : memref<125xi32, #tpu.memory_space<vmem>>) semaphore(%arg15 : memref<!tpu.dma_semaphore, #tpu.memory_space<semaphore_mem>>)
      } else {
      }
      %add3A_98 = arith.constant 3 : i32
      %add3A_99 = arith.addi %mul3A_55, %add3A_98 : i32
      %dma_wait3A_100 = arith.constant 0 : i32
      %dma_wait3A_101 = tpu.memref_slice %arg6[%add3A_99, %dma_wait3A_100] : memref<80x125xi32, #tpu.memory_space<vmem>> -> memref<1x125xi32, #tpu.memory_space<vmem>>
      %dma_wait3A_102 = tpu.memref_squeeze %dma_wait3A_101 : memref<1x125xi32, #tpu.memory_space<vmem>> -> memref<125xi32, #tpu.memory_space<vmem>>
      %dma_wait3A_103 = arith.constant 0 : i32
      %dma_wait3A_104 = arith.constant 0 : i32
      %dma_wait3A_105 = tpu.memref_slice %arg20[%dma_wait3A_103, %dma_wait3A_104] : memref<10000x40xf32, #tpu.memory_space<vmem_shared>> -> memref<10000x40xf32, #tpu.memory_space<vmem_shared>>
      tpu.wait_indirect_dma semaphore(%arg16 : memref<!tpu.dma_semaphore, #tpu.memory_space<semaphore_mem>>) src(%dma_wait3A_105 : memref<10000x40xf32, #tpu.memory_space<vmem_shared>>) dst(%arg11 : memref<125x40xf32, #tpu.memory_space<vmem>>)
      "tpu.region"() ({
        %run_scoped3A_129 = tpu.sem_alloc : memref<!tpu.dma_semaphore, #tpu.memory_space<semaphore_mem>>
        %dma_start3A_130 = arith.constant 0 : i32
        %dma_start3A_131 = tpu.memref_slice %arg7[%add3A_99, %dma_start3A_130] : memref<80x125xi32, #tpu.memory_space<vmem>> -> memref<1x125xi32, #tpu.memory_space<vmem>>
        %dma_start3A_132 = tpu.memref_squeeze %dma_start3A_131 : memref<1x125xi32, #tpu.memory_space<vmem>> -> memref<125xi32, #tpu.memory_space<vmem>>
        %dma_start3A_133 = arith.constant 0 : i32
        %dma_start3A_134 = arith.constant 0 : i32
        %dma_start3A_135 = tpu.memref_slice %arg21[%dma_start3A_133, %dma_start3A_134] : memref<10000x40xf32, #tpu.memory_space<vmem_shared>> -> memref<10000x40xf32, #tpu.memory_space<vmem_shared>>
        tpu.enqueue_indirect_dma source(%arg11 : memref<125x40xf32, #tpu.memory_space<vmem>>) target(%dma_start3A_135 : memref<10000x40xf32, #tpu.memory_space<vmem_shared>>) offsets(%dma_start3A_132 : memref<125xi32, #tpu.memory_space<vmem>>) semaphore(%run_scoped3A_129 : memref<!tpu.dma_semaphore, #tpu.memory_space<semaphore_mem>>) {add = true}
        %dma_wait3A_136 = arith.constant 0 : i32
        %dma_wait3A_137 = tpu.memref_slice %arg7[%add3A_99, %dma_wait3A_136] : memref<80x125xi32, #tpu.memory_space<vmem>> -> memref<1x125xi32, #tpu.memory_space<vmem>>
        %dma_wait3A_138 = tpu.memref_squeeze %dma_wait3A_137 : memref<1x125xi32, #tpu.memory_space<vmem>> -> memref<125xi32, #tpu.memory_space<vmem>>
        %dma_wait3A_139 = arith.constant 0 : i32
        %dma_wait3A_140 = arith.constant 0 : i32
        %dma_wait3A_141 = tpu.memref_slice %arg21[%dma_wait3A_139, %dma_wait3A_140] : memref<10000x40xf32, #tpu.memory_space<vmem_shared>> -> memref<10000x40xf32, #tpu.memory_space<vmem_shared>>
        tpu.wait_indirect_dma semaphore(%run_scoped3A_129 : memref<!tpu.dma_semaphore, #tpu.memory_space<semaphore_mem>>) src(%arg11 : memref<125x40xf32, #tpu.memory_space<vmem>>) dst(%dma_wait3A_141 : memref<10000x40xf32, #tpu.memory_space<vmem_shared>>)
        tpu.yield
      }) : () -> ()
      %add3A_106 = arith.constant 5 : i32
      %add3A_107 = arith.addi %add3A_99, %add3A_106 : i32
      %lt3A_108 = arith.constant 80 : i32
      %lt3A_109 = arith.cmpi slt, %add3A_107, %lt3A_108 : i32
      %convert_element_type3A_110 = arith.extui %lt3A_109 : i1 to i32
      %cond3A_111 = arith.constant 0 : i32
      %cond3A_112 = arith.cmpi ne, %convert_element_type3A_110, %cond3A_111 : i32
      scf.if %cond3A_112 {
        %dma_start3A_129 = arith.constant 0 : i32
        %dma_start3A_130 = tpu.memref_slice %arg6[%add3A_107, %dma_start3A_129] : memref<80x125xi32, #tpu.memory_space<vmem>> -> memref<1x125xi32, #tpu.memory_space<vmem>>
        %dma_start3A_131 = tpu.memref_squeeze %dma_start3A_130 : memref<1x125xi32, #tpu.memory_space<vmem>> -> memref<125xi32, #tpu.memory_space<vmem>>
        %dma_start3A_132 = arith.constant 0 : i32
        %dma_start3A_133 = arith.constant 0 : i32
        %dma_start3A_134 = tpu.memref_slice %arg20[%dma_start3A_132, %dma_start3A_133] : memref<10000x40xf32, #tpu.memory_space<vmem_shared>> -> memref<10000x40xf32, #tpu.memory_space<vmem_shared>>
        tpu.enqueue_indirect_dma source(%dma_start3A_134 : memref<10000x40xf32, #tpu.memory_space<vmem_shared>>) target(%arg11 : memref<125x40xf32, #tpu.memory_space<vmem>>) offsets(%dma_start3A_131 : memref<125xi32, #tpu.memory_space<vmem>>) semaphore(%arg16 : memref<!tpu.dma_semaphore, #tpu.memory_space<semaphore_mem>>)
      } else {
      }
      %add3A_113 = arith.constant 4 : i32
      %add3A_114 = arith.addi %mul3A_55, %add3A_113 : i32
      %dma_wait3A_115 = arith.constant 0 : i32
      %dma_wait3A_116 = tpu.memref_slice %arg6[%add3A_114, %dma_wait3A_115] : memref<80x125xi32, #tpu.memory_space<vmem>> -> memref<1x125xi32, #tpu.memory_space<vmem>>
      %dma_wait3A_117 = tpu.memref_squeeze %dma_wait3A_116 : memref<1x125xi32, #tpu.memory_space<vmem>> -> memref<125xi32, #tpu.memory_space<vmem>>
      %dma_wait3A_118 = arith.constant 0 : i32
      %dma_wait3A_119 = arith.constant 0 : i32
      %dma_wait3A_120 = tpu.memref_slice %arg20[%dma_wait3A_118, %dma_wait3A_119] : memref<10000x40xf32, #tpu.memory_space<vmem_shared>> -> memref<10000x40xf32, #tpu.memory_space<vmem_shared>>
      tpu.wait_indirect_dma semaphore(%arg17 : memref<!tpu.dma_semaphore, #tpu.memory_space<semaphore_mem>>) src(%dma_wait3A_120 : memref<10000x40xf32, #tpu.memory_space<vmem_shared>>) dst(%arg12 : memref<125x40xf32, #tpu.memory_space<vmem>>)
      "tpu.region"() ({
        %run_scoped3A_129 = tpu.sem_alloc : memref<!tpu.dma_semaphore, #tpu.memory_space<semaphore_mem>>
        %dma_start3A_130 = arith.constant 0 : i32
        %dma_start3A_131 = tpu.memref_slice %arg7[%add3A_114, %dma_start3A_130] : memref<80x125xi32, #tpu.memory_space<vmem>> -> memref<1x125xi32, #tpu.memory_space<vmem>>
        %dma_start3A_132 = tpu.memref_squeeze %dma_start3A_131 : memref<1x125xi32, #tpu.memory_space<vmem>> -> memref<125xi32, #tpu.memory_space<vmem>>
        %dma_start3A_133 = arith.constant 0 : i32
        %dma_start3A_134 = arith.constant 0 : i32
        %dma_start3A_135 = tpu.memref_slice %arg21[%dma_start3A_133, %dma_start3A_134] : memref<10000x40xf32, #tpu.memory_space<vmem_shared>> -> memref<10000x40xf32, #tpu.memory_space<vmem_shared>>
        tpu.enqueue_indirect_dma source(%arg12 : memref<125x40xf32, #tpu.memory_space<vmem>>) target(%dma_start3A_135 : memref<10000x40xf32, #tpu.memory_space<vmem_shared>>) offsets(%dma_start3A_132 : memref<125xi32, #tpu.memory_space<vmem>>) semaphore(%run_scoped3A_129 : memref<!tpu.dma_semaphore, #tpu.memory_space<semaphore_mem>>) {add = true}
        %dma_wait3A_136 = arith.constant 0 : i32
        %dma_wait3A_137 = tpu.memref_slice %arg7[%add3A_114, %dma_wait3A_136] : memref<80x125xi32, #tpu.memory_space<vmem>> -> memref<1x125xi32, #tpu.memory_space<vmem>>
        %dma_wait3A_138 = tpu.memref_squeeze %dma_wait3A_137 : memref<1x125xi32, #tpu.memory_space<vmem>> -> memref<125xi32, #tpu.memory_space<vmem>>
        %dma_wait3A_139 = arith.constant 0 : i32
        %dma_wait3A_140 = arith.constant 0 : i32
        %dma_wait3A_141 = tpu.memref_slice %arg21[%dma_wait3A_139, %dma_wait3A_140] : memref<10000x40xf32, #tpu.memory_space<vmem_shared>> -> memref<10000x40xf32, #tpu.memory_space<vmem_shared>>
        tpu.wait_indirect_dma semaphore(%run_scoped3A_129 : memref<!tpu.dma_semaphore, #tpu.memory_space<semaphore_mem>>) src(%arg12 : memref<125x40xf32, #tpu.memory_space<vmem>>) dst(%dma_wait3A_141 : memref<10000x40xf32, #tpu.memory_space<vmem_shared>>)
        tpu.yield
      }) : () -> ()
      %add3A_121 = arith.constant 5 : i32
      %add3A_122 = arith.addi %add3A_114, %add3A_121 : i32
      %lt3A_123 = arith.constant 80 : i32
      %lt3A_124 = arith.cmpi slt, %add3A_122, %lt3A_123 : i32
      %convert_element_type3A_125 = arith.extui %lt3A_124 : i1 to i32
      %cond3A_126 = arith.constant 0 : i32
      %cond3A_127 = arith.cmpi ne, %convert_element_type3A_125, %cond3A_126 : i32
      scf.if %cond3A_127 {
        %dma_start3A_129 = arith.constant 0 : i32
        %dma_start3A_130 = tpu.memref_slice %arg6[%add3A_122, %dma_start3A_129] : memref<80x125xi32, #tpu.memory_space<vmem>> -> memref<1x125xi32, #tpu.memory_space<vmem>>
        %dma_start3A_131 = tpu.memref_squeeze %dma_start3A_130 : memref<1x125xi32, #tpu.memory_space<vmem>> -> memref<125xi32, #tpu.memory_space<vmem>>
        %dma_start3A_132 = arith.constant 0 : i32
        %dma_start3A_133 = arith.constant 0 : i32
        %dma_start3A_134 = tpu.memref_slice %arg20[%dma_start3A_132, %dma_start3A_133] : memref<10000x40xf32, #tpu.memory_space<vmem_shared>> -> memref<10000x40xf32, #tpu.memory_space<vmem_shared>>
        tpu.enqueue_indirect_dma source(%dma_start3A_134 : memref<10000x40xf32, #tpu.memory_space<vmem_shared>>) target(%arg12 : memref<125x40xf32, #tpu.memory_space<vmem>>) offsets(%dma_start3A_131 : memref<125xi32, #tpu.memory_space<vmem>>) semaphore(%arg17 : memref<!tpu.dma_semaphore, #tpu.memory_space<semaphore_mem>>)
      } else {
      }
      %scan3A_128 = arith.constant 0 : i32
      scf.yield %scan3A_128 : i32
    }
    %scan3A_50 = arith.constant 16 : i32
    %barrier3A_51 = arith.constant 0 : index
    tpu.barrier barrier_id(%barrier3A_51)
    "tpu.region"() ({
      %run_scoped3A_52 = tpu.sem_alloc : memref<!tpu.dma_semaphore, #tpu.memory_space<semaphore_mem>>
      %dma_start3A_53 = arith.constant 0 : i32
      %dma_start3A_54 = tpu.memref_slice %arg5[%arg0, %mul3A_2, %dma_start3A_53] : memref<2x10000x40xf32, #tpu.memory_space<hbm>> -> memref<1x625x40xf32, #tpu.memory_space<hbm>>
      %dma_start3A_55 = tpu.memref_squeeze %dma_start3A_54 : memref<1x625x40xf32, #tpu.memory_space<hbm>> -> memref<625x40xf32, #tpu.memory_space<hbm>>
      %dma_start3A_56 = arith.constant 0 : i32
      %dma_start3A_57 = tpu.memref_slice %arg21[%mul3A_2, %dma_start3A_56] : memref<10000x40xf32, #tpu.memory_space<vmem_shared>> -> memref<625x40xf32, #tpu.memory_space<vmem_shared>>
      tpu.enqueue_dma source(%dma_start3A_57 : memref<625x40xf32, #tpu.memory_space<vmem_shared>>) target(%dma_start3A_55 : memref<625x40xf32, #tpu.memory_space<hbm>>) target_semaphore(%run_scoped3A_52 : memref<!tpu.dma_semaphore, #tpu.memory_space<semaphore_mem>>)
      %dma_wait3A_58 = arith.constant 0 : i32
      %dma_wait3A_59 = tpu.memref_slice %arg5[%arg0, %mul3A_2, %dma_wait3A_58] : memref<2x10000x40xf32, #tpu.memory_space<hbm>> -> memref<1x625x40xf32, #tpu.memory_space<hbm>>
      %dma_wait3A_60 = tpu.memref_squeeze %dma_wait3A_59 : memref<1x625x40xf32, #tpu.memory_space<hbm>> -> memref<625x40xf32, #tpu.memory_space<hbm>>
      %dma_wait3A_61 = arith.constant 0 : i32
      %dma_wait3A_62 = tpu.memref_slice %arg21[%mul3A_2, %dma_wait3A_61] : memref<10000x40xf32, #tpu.memory_space<vmem_shared>> -> memref<625x40xf32, #tpu.memory_space<vmem_shared>>
      tpu.wait_dma2 semaphore(%run_scoped3A_52 : memref<!tpu.dma_semaphore, #tpu.memory_space<semaphore_mem>>) src(%dma_wait3A_62 : memref<625x40xf32, #tpu.memory_space<vmem_shared>>) dst(%dma_wait3A_60 : memref<625x40xf32, #tpu.memory_space<hbm>>)
      tpu.yield
    }) : () -> ()
    return
  }
}

module attributes {stable_mosaic.version = 14 : i64} {
  func.func @_mm1_body(%arg0: i32, %arg1: memref<2000x128xf32, #tpu.memory_space<vmem>>, %arg2: memref<128x16xf32, #tpu.memory_space<vmem>>, %arg3: memref<1x2000x8xf32, #tpu.memory_space<vmem>>, %arg4: memref<1x2000x8xf32, #tpu.memory_space<vmem>>, %arg5: memref<2000x16xf32, #tpu.memory_space<vmem>>, %arg6: memref<2000x1xf32, #tpu.memory_space<vmem>>) attributes {dimension_semantics = [#tpu.dimension_semantics<arbitrary>], iteration_bounds = array<i64: 5>, scalar_prefetch = 0 : i64, scratch_operands = 0 : i64, tpu.core_type = #tpu.core_type<tc>, window_params = [{transform_indices = @transform_0, window_bounds = array<i64: 2000, 128>}, {pipeline_mode = #tpu.pipeline_mode<synchronous>, transform_indices = @transform_1, window_bounds = array<i64: 128, 16>}, {transform_indices = @transform_2, window_bounds = array<i64: 1, 2000, 8>}, {transform_indices = @transform_3, window_bounds = array<i64: 1, 2000, 8>}, {transform_indices = @transform_4, window_bounds = array<i64: 2000, 16>}, {transform_indices = @transform_5, window_bounds = array<i64: 2000, 1>}]} {
    %get3A = arith.constant 0 : index
    %get3A_0 = arith.constant 0 : index
    %get3A_1 = arith.constant 0 : index
    %get3A_2 = vector.load %arg3[%get3A, %get3A_0, %get3A_1] : memref<1x2000x8xf32, #tpu.memory_space<vmem>>, vector<1x2000x1xf32>
    %get3A_3 = vector.shape_cast %get3A_2 : vector<1x2000x1xf32> to vector<2000x1xf32>
    %get3A_4 = arith.constant 0 : index
    %get3A_5 = arith.constant 0 : index
    %get3A_6 = arith.constant 0 : index
    %get3A_7 = vector.load %arg4[%get3A_4, %get3A_5, %get3A_6] : memref<1x2000x8xf32, #tpu.memory_space<vmem>>, vector<1x2000x1xf32>
    %get3A_8 = vector.shape_cast %get3A_7 : vector<1x2000x1xf32> to vector<2000x1xf32>
    %add3A = arith.addf %get3A_3, %get3A_8 : vector<2000x1xf32>
    %add3A_9 = arith.constant 1.000000e+00 : f32
    %add3A_10 = vector.broadcast %add3A_9 : f32 to vector<2000x1xf32>
    %add3A_11 = arith.addf %add3A, %add3A_10 : vector<2000x1xf32>
    %rsqrt3A = math.rsqrt %add3A_11 : vector<2000x1xf32>
    %swap3A = arith.constant 0 : index
    %swap3A_12 = arith.constant 0 : index
    %swap3A_13 = vector.load %arg6[%swap3A, %swap3A_12] : memref<2000x1xf32, #tpu.memory_space<vmem>>, vector<2000x1xf32>
    tpu.vector_store %arg6[%swap3A, %swap3A_12], %rsqrt3A {strides = array<i32>} : memref<2000x1xf32, #tpu.memory_space<vmem>>, vector<2000x1xf32>,
    %get3A_14 = arith.constant 0 : index
    %get3A_15 = arith.constant 0 : index
    %get3A_16 = vector.load %arg1[%get3A_14, %get3A_15] : memref<2000x128xf32, #tpu.memory_space<vmem>>, vector<2000x128xf32>
    %get3A_17 = arith.constant 0 : index
    %get3A_18 = arith.constant 0 : index
    %get3A_19 = vector.load %arg2[%get3A_17, %get3A_18] : memref<128x16xf32, #tpu.memory_space<vmem>>, vector<128x16xf32>
    %dot_general3A = arith.constant dense<0.000000e+00> : vector<2000x16xf32>
    %dot_general3A_20 = tpu.matmul %get3A_16, %get3A_19, %dot_general3A {dimension_numbers = #tpu.dot_dimension_numbers<[1], [0], [0], [1], [0, 0, 1, 1], [], []>, transpose_lhs_hint = false} : vector<2000x128xf32>, vector<128x16xf32>, vector<2000x16xf32> -> vector<2000x16xf32>
    %mul3A = vector.broadcast %rsqrt3A : vector<2000x1xf32> to vector<2000x16xf32>
    %mul3A_21 = arith.mulf %dot_general3A_20, %mul3A : vector<2000x16xf32>
    %swap3A_22 = arith.constant 0 : index
    %swap3A_23 = arith.constant 0 : index
    %swap3A_24 = vector.load %arg5[%swap3A_22, %swap3A_23] : memref<2000x16xf32, #tpu.memory_space<vmem>>, vector<2000x16xf32>
    tpu.vector_store %arg5[%swap3A_22, %swap3A_23], %mul3A_21 {strides = array<i32>} : memref<2000x16xf32, #tpu.memory_space<vmem>>, vector<2000x16xf32>,
    return
  }
  func.func @transform_0(%arg0: i32) -> (i32, i32) {
    %c0_i32 = arith.constant 0 : i32
    %c0_i32_0 = arith.constant 0 : i32
    return %arg0, %c0_i32 : i32, i32
  }
  func.func @transform_1(%arg0: i32) -> (i32, i32) {
    %c0_i32 = arith.constant 0 : i32
    %c0_i32_0 = arith.constant 0 : i32
    %c0_i32_1 = arith.constant 0 : i32
    return %c0_i32, %c0_i32_0 : i32, i32
  }
  func.func @transform_2(%arg0: i32) -> (i32, i32, i32) {
    %c0_i32 = arith.constant 0 : i32
    %c0_i32_0 = arith.constant 0 : i32
    %c0_i32_1 = arith.constant 0 : i32
    return %c0_i32, %arg0, %c0_i32_0 : i32, i32, i32
  }
  func.func @transform_3(%arg0: i32) -> (i32, i32, i32) {
    %c1_i32 = arith.constant 1 : i32
    %c0_i32 = arith.constant 0 : i32
    %c0_i32_0 = arith.constant 0 : i32
    return %c1_i32, %arg0, %c0_i32 : i32, i32, i32
  }
  func.func @transform_4(%arg0: i32) -> (i32, i32) {
    %c0_i32 = arith.constant 0 : i32
    %c0_i32_0 = arith.constant 0 : i32
    return %arg0, %c0_i32 : i32, i32
  }
  func.func @transform_5(%arg0: i32) -> (i32, i32) {
    %c0_i32 = arith.constant 0 : i32
    %c0_i32_0 = arith.constant 0 : i32
    return %arg0, %c0_i32 : i32, i32
  }
}

module attributes {stable_mosaic.version = 14 : i64} {
  func.func @_comb1_body(%arg0: i32, %arg1: memref<1x2000x16xf32, #tpu.memory_space<vmem>>, %arg2: memref<1x2000x16xf32, #tpu.memory_space<vmem>>, %arg3: memref<2000x16xf32, #tpu.memory_space<vmem>>, %arg4: memref<2000x1xf32, #tpu.memory_space<vmem>>, %arg5: memref<1x16xf32, #tpu.memory_space<vmem>>, %arg6: memref<16x40xf32, #tpu.memory_space<vmem>>, %arg7: memref<2000x40xf32, #tpu.memory_space<vmem>>) attributes {dimension_semantics = [#tpu.dimension_semantics<arbitrary>], iteration_bounds = array<i64: 5>, scalar_prefetch = 0 : i64, scratch_operands = 0 : i64, tpu.core_type = #tpu.core_type<tc>, window_params = [{transform_indices = @transform_0, window_bounds = array<i64: 1, 2000, 16>}, {transform_indices = @transform_1, window_bounds = array<i64: 1, 2000, 16>}, {transform_indices = @transform_2, window_bounds = array<i64: 2000, 16>}, {transform_indices = @transform_3, window_bounds = array<i64: 2000, 1>}, {pipeline_mode = #tpu.pipeline_mode<synchronous>, transform_indices = @transform_4, window_bounds = array<i64: 1, 16>}, {pipeline_mode = #tpu.pipeline_mode<synchronous>, transform_indices = @transform_5, window_bounds = array<i64: 16, 40>}, {transform_indices = @transform_6, window_bounds = array<i64: 2000, 40>}]} {
    %get3A = arith.constant 0 : index
    %get3A_0 = arith.constant 0 : index
    %get3A_1 = vector.load %arg4[%get3A, %get3A_0] : memref<2000x1xf32, #tpu.memory_space<vmem>>, vector<2000x1xf32>
    %get3A_2 = arith.constant 0 : index
    %get3A_3 = arith.constant 0 : index
    %get3A_4 = arith.constant 0 : index
    %get3A_5 = vector.load %arg1[%get3A_2, %get3A_3, %get3A_4] : memref<1x2000x16xf32, #tpu.memory_space<vmem>>, vector<1x2000x16xf32>
    %get3A_6 = vector.shape_cast %get3A_5 : vector<1x2000x16xf32> to vector<2000x16xf32>
    %get3A_7 = arith.constant 0 : index
    %get3A_8 = arith.constant 0 : index
    %get3A_9 = arith.constant 0 : index
    %get3A_10 = vector.load %arg2[%get3A_7, %get3A_8, %get3A_9] : memref<1x2000x16xf32, #tpu.memory_space<vmem>>, vector<1x2000x16xf32>
    %get3A_11 = vector.shape_cast %get3A_10 : vector<1x2000x16xf32> to vector<2000x16xf32>
    %add3A = arith.addf %get3A_6, %get3A_11 : vector<2000x16xf32>
    %get3A_12 = arith.constant 0 : index
    %get3A_13 = arith.constant 0 : index
    %get3A_14 = vector.load %arg3[%get3A_12, %get3A_13] : memref<2000x16xf32, #tpu.memory_space<vmem>>, vector<2000x16xf32>
    %add3A_15 = arith.addf %add3A, %get3A_14 : vector<2000x16xf32>
    %mul3A = vector.broadcast %get3A_1 : vector<2000x1xf32> to vector<2000x16xf32>
    %mul3A_16 = arith.mulf %add3A_15, %mul3A : vector<2000x16xf32>
    %get3A_17 = arith.constant 0 : index
    %get3A_18 = arith.constant 0 : index
    %get3A_19 = vector.load %arg5[%get3A_17, %get3A_18] : memref<1x16xf32, #tpu.memory_space<vmem>>, vector<1x16xf32>
    %add3A_20 = vector.broadcast %get3A_19 : vector<1x16xf32> to vector<2000x16xf32>
    %add3A_21 = arith.addf %mul3A_16, %add3A_20 : vector<2000x16xf32>
    %max3A = arith.constant 0.000000e+00 : f32
    %max3A_22 = vector.broadcast %max3A : f32 to vector<2000x16xf32>
    %max3A_23 = arith.maximumf %add3A_21, %max3A_22 : vector<2000x16xf32>
    %get3A_24 = arith.constant 0 : index
    %get3A_25 = arith.constant 0 : index
    %get3A_26 = vector.load %arg6[%get3A_24, %get3A_25] : memref<16x40xf32, #tpu.memory_space<vmem>>, vector<16x40xf32>
    %dot_general3A = arith.constant dense<0.000000e+00> : vector<2000x40xf32>
    %dot_general3A_27 = tpu.matmul %max3A_23, %get3A_26, %dot_general3A {dimension_numbers = #tpu.dot_dimension_numbers<[1], [0], [0], [1], [0, 0, 1, 1], [], []>, transpose_lhs_hint = false} : vector<2000x16xf32>, vector<16x40xf32>, vector<2000x40xf32> -> vector<2000x40xf32>
    %mul3A_28 = vector.broadcast %get3A_1 : vector<2000x1xf32> to vector<2000x40xf32>
    %mul3A_29 = arith.mulf %dot_general3A_27, %mul3A_28 : vector<2000x40xf32>
    %swap3A = arith.constant 0 : index
    %swap3A_30 = arith.constant 0 : index
    %swap3A_31 = vector.load %arg7[%swap3A, %swap3A_30] : memref<2000x40xf32, #tpu.memory_space<vmem>>, vector<2000x40xf32>
    tpu.vector_store %arg7[%swap3A, %swap3A_30], %mul3A_29 {strides = array<i32>} : memref<2000x40xf32, #tpu.memory_space<vmem>>, vector<2000x40xf32>,
    return
  }
  func.func @transform_0(%arg0: i32) -> (i32, i32, i32) {
    %c0_i32 = arith.constant 0 : i32
    %c0_i32_0 = arith.constant 0 : i32
    %c0_i32_1 = arith.constant 0 : i32
    return %c0_i32, %arg0, %c0_i32_0 : i32, i32, i32
  }
  func.func @transform_1(%arg0: i32) -> (i32, i32, i32) {
    %c1_i32 = arith.constant 1 : i32
    %c0_i32 = arith.constant 0 : i32
    %c0_i32_0 = arith.constant 0 : i32
    return %c1_i32, %arg0, %c0_i32 : i32, i32, i32
  }
  func.func @transform_2(%arg0: i32) -> (i32, i32) {
    %c0_i32 = arith.constant 0 : i32
    %c0_i32_0 = arith.constant 0 : i32
    return %arg0, %c0_i32 : i32, i32
  }
  func.func @transform_3(%arg0: i32) -> (i32, i32) {
    %c0_i32 = arith.constant 0 : i32
    %c0_i32_0 = arith.constant 0 : i32
    return %arg0, %c0_i32 : i32, i32
  }
  func.func @transform_4(%arg0: i32) -> (i32, i32) {
    %c0_i32 = arith.constant 0 : i32
    %c0_i32_0 = arith.constant 0 : i32
    %c0_i32_1 = arith.constant 0 : i32
    return %c0_i32, %c0_i32_0 : i32, i32
  }
  func.func @transform_5(%arg0: i32) -> (i32, i32) {
    %c0_i32 = arith.constant 0 : i32
    %c0_i32_0 = arith.constant 0 : i32
    %c0_i32_1 = arith.constant 0 : i32
    return %c0_i32, %c0_i32_0 : i32, i32
  }
  func.func @transform_6(%arg0: i32) -> (i32, i32) {
    %c0_i32 = arith.constant 0 : i32
    %c0_i32_0 = arith.constant 0 : i32
    return %arg0, %c0_i32 : i32, i32
  }
}

module attributes {stable_mosaic.version = 14 : i64} {
  func.func @_final_body(%arg0: i32, %arg1: memref<1x2000x40xf32, #tpu.memory_space<vmem>>, %arg2: memref<1x2000x40xf32, #tpu.memory_space<vmem>>, %arg3: memref<2000x40xf32, #tpu.memory_space<vmem>>, %arg4: memref<2000x1xf32, #tpu.memory_space<vmem>>, %arg5: memref<1x40xf32, #tpu.memory_space<vmem>>, %arg6: memref<2000x40xf32, #tpu.memory_space<vmem>>) attributes {dimension_semantics = [#tpu.dimension_semantics<arbitrary>], iteration_bounds = array<i64: 5>, scalar_prefetch = 0 : i64, scratch_operands = 0 : i64, tpu.core_type = #tpu.core_type<tc>, window_params = [{transform_indices = @transform_0, window_bounds = array<i64: 1, 2000, 40>}, {transform_indices = @transform_1, window_bounds = array<i64: 1, 2000, 40>}, {transform_indices = @transform_2, window_bounds = array<i64: 2000, 40>}, {transform_indices = @transform_3, window_bounds = array<i64: 2000, 1>}, {pipeline_mode = #tpu.pipeline_mode<synchronous>, transform_indices = @transform_4, window_bounds = array<i64: 1, 40>}, {transform_indices = @transform_5, window_bounds = array<i64: 2000, 40>}]} {
    %get3A = arith.constant 0 : index
    %get3A_0 = arith.constant 0 : index
    %get3A_1 = arith.constant 0 : index
    %get3A_2 = vector.load %arg1[%get3A, %get3A_0, %get3A_1] : memref<1x2000x40xf32, #tpu.memory_space<vmem>>, vector<1x2000x40xf32>
    %get3A_3 = vector.shape_cast %get3A_2 : vector<1x2000x40xf32> to vector<2000x40xf32>
    %get3A_4 = arith.constant 0 : index
    %get3A_5 = arith.constant 0 : index
    %get3A_6 = arith.constant 0 : index
    %get3A_7 = vector.load %arg2[%get3A_4, %get3A_5, %get3A_6] : memref<1x2000x40xf32, #tpu.memory_space<vmem>>, vector<1x2000x40xf32>
    %get3A_8 = vector.shape_cast %get3A_7 : vector<1x2000x40xf32> to vector<2000x40xf32>
    %add3A = arith.addf %get3A_3, %get3A_8 : vector<2000x40xf32>
    %get3A_9 = arith.constant 0 : index
    %get3A_10 = arith.constant 0 : index
    %get3A_11 = vector.load %arg3[%get3A_9, %get3A_10] : memref<2000x40xf32, #tpu.memory_space<vmem>>, vector<2000x40xf32>
    %add3A_12 = arith.addf %add3A, %get3A_11 : vector<2000x40xf32>
    %get3A_13 = arith.constant 0 : index
    %get3A_14 = arith.constant 0 : index
    %get3A_15 = vector.load %arg4[%get3A_13, %get3A_14] : memref<2000x1xf32, #tpu.memory_space<vmem>>, vector<2000x1xf32>
    %mul3A = vector.broadcast %get3A_15 : vector<2000x1xf32> to vector<2000x40xf32>
    %mul3A_16 = arith.mulf %add3A_12, %mul3A : vector<2000x40xf32>
    %get3A_17 = arith.constant 0 : index
    %get3A_18 = arith.constant 0 : index
    %get3A_19 = vector.load %arg5[%get3A_17, %get3A_18] : memref<1x40xf32, #tpu.memory_space<vmem>>, vector<1x40xf32>
    %add3A_20 = vector.broadcast %get3A_19 : vector<1x40xf32> to vector<2000x40xf32>
    %add3A_21 = arith.addf %mul3A_16, %add3A_20 : vector<2000x40xf32>
    %reduce_max3A = arith.constant dense<0xFF800000> : vector<2000xf32>
    %reduce_max3A_22 = vector.multi_reduction <maximumf>, %add3A_21, %reduce_max3A [1] : vector<2000x40xf32> to vector<2000xf32>
    %broadcast_in_dim3A = vector.shape_cast %reduce_max3A_22 : vector<2000xf32> to vector<2000x1xf32>
    %sub3A = vector.broadcast %broadcast_in_dim3A : vector<2000x1xf32> to vector<2000x40xf32>
    %sub3A_23 = arith.subf %add3A_21, %sub3A : vector<2000x40xf32>
    %exp3A = math.exp %sub3A_23 : vector<2000x40xf32>
    %reduce_sum3A = arith.constant dense<0.000000e+00> : vector<2000xf32>
    %reduce_sum3A_24 = vector.multi_reduction <add>, %exp3A, %reduce_sum3A [1] : vector<2000x40xf32> to vector<2000xf32>
    %broadcast_in_dim3A_25 = vector.shape_cast %reduce_sum3A_24 : vector<2000xf32> to vector<2000x1xf32>
    %log3A = math.log %broadcast_in_dim3A_25 : vector<2000x1xf32>
    %sub3A_26 = vector.broadcast %broadcast_in_dim3A : vector<2000x1xf32> to vector<2000x40xf32>
    %sub3A_27 = arith.subf %add3A_21, %sub3A_26 : vector<2000x40xf32>
    %sub3A_28 = vector.broadcast %log3A : vector<2000x1xf32> to vector<2000x40xf32>
    %sub3A_29 = arith.subf %sub3A_27, %sub3A_28 : vector<2000x40xf32>
    %swap3A = arith.constant 0 : index
    %swap3A_30 = arith.constant 0 : index
    %swap3A_31 = vector.load %arg6[%swap3A, %swap3A_30] : memref<2000x40xf32, #tpu.memory_space<vmem>>, vector<2000x40xf32>
    tpu.vector_store %arg6[%swap3A, %swap3A_30], %sub3A_29 {strides = array<i32>} : memref<2000x40xf32, #tpu.memory_space<vmem>>, vector<2000x40xf32>,
    return
  }
  func.func @transform_0(%arg0: i32) -> (i32, i32, i32) {
    %c0_i32 = arith.constant 0 : i32
    %c0_i32_0 = arith.constant 0 : i32
    %c0_i32_1 = arith.constant 0 : i32
    return %c0_i32, %arg0, %c0_i32_0 : i32, i32, i32
  }
  func.func @transform_1(%arg0: i32) -> (i32, i32, i32) {
    %c1_i32 = arith.constant 1 : i32
    %c0_i32 = arith.constant 0 : i32
    %c0_i32_0 = arith.constant 0 : i32
    return %c1_i32, %arg0, %c0_i32 : i32, i32, i32
  }
  func.func @transform_2(%arg0: i32) -> (i32, i32) {
    %c0_i32 = arith.constant 0 : i32
    %c0_i32_0 = arith.constant 0 : i32
    return %arg0, %c0_i32 : i32, i32
  }
  func.func @transform_3(%arg0: i32) -> (i32, i32) {
    %c0_i32 = arith.constant 0 : i32
    %c0_i32_0 = arith.constant 0 : i32
    return %arg0, %c0_i32 : i32, i32
  }
  func.func @transform_4(%arg0: i32) -> (i32, i32) {
    %c0_i32 = arith.constant 0 : i32
    %c0_i32_0 = arith.constant 0 : i32
    %c0_i32_1 = arith.constant 0 : i32
    return %c0_i32, %c0_i32_0 : i32, i32
  }
  func.func @transform_5(%arg0: i32) -> (i32, i32) {
    %c0_i32 = arith.constant 0 : i32
    %c0_i32_0 = arith.constant 0 : i32
    return %arg0, %c0_i32 : i32, i32
  }
}

</mosaic_0001>

<sc_bundles>
// kernel: kernel.11.cloned.1.call-start
scs
__scs_entry_jumppad:
0x0: {  	(pc) =	sbr.rel $0x88, $3  }
0x1: {  	(tag) =	ssettag $0x0;
	lr =	simm.s32 $0x1  }
0x2: {  	[smem:$0x3F9B] =	sst lr;
	_ =	strace $0xD0000000  }
0x3: {  	_ = 	snop  }
0x4: {  	_ = 	snop  }
0x5: {  	_ = 	snop  }
0x6: {  	_ = 	snop  }
0x7: {  	_ = 	snop  }
__scs_overlays_trampoline_lowered:
0x8: {  	[smem:$0x3FAA] =	sst s0  }
0x9: {  	[smem:$0x3FAB] =	sst s1  }
0xa: {  	[smem:$0x3FAC] =	sst s2  }
0xb: {  	[smem:$0x3FAD] =	sst s3  }
0xc: {  	[smem:$0x3FAE] =	sst s4  }
0xd: {  	[smem:$0x3FAF] =	sst s5  }
0xe: {  	[smem:$0x3FB0] =	sst s6  }
0xf: {  	[smem:$0x3FB1] =	sst s7  }
0x10: {  	[smem:$0x3FB2] =	sst s8  }
0x11: {  	[smem:$0x3FB3] =	sst s9;
	s0 =	simm.s32 @!p0 $0x0  }
0x12: {  	s1 =	sld [smem:$0x3F99];
	s0 =	simm.s32 @p0 $0x1  }
0x13: {  	[smem:$0x3FB4] =	sst s0;
	s0 =	simm.s32 @!p1 $0x0  }
0x14: {  	s2 =	sld [smem:$0x3F98];
	s0 =	simm.s32 @p1 $0x1  }
0x15: {  	[smem:$0x3FB5] =	sst s0;
	s0 =	simm.s32 @!p2 $0x0  }
0x16: {  	s3 =	sld [smem:$0x3FDB];
	s0 =	simm.s32 @p2 $0x1  }
0x17: {  	s4 =	simm.s32 $0x1BF5;
	[smem:$0x3FB7] =	sst s0  }
0x18: {  	s0 =	sld [smem:$0x3F9A];
	_ =	swait.ge [sflag:s4], $0x0  }
0x19: {  	s7 =	sld [smem:$0x3F9B]  }
0x1a: {  	s8 =	sadd.s32 $0xFFFFE003, lr  }
0x1b: {  	s9 =	sadd.s32 $0xFFFFFEF7, lr;
	s5 =	simm.s32 $0xFFFFFFFF;
	p2 =	slt.u32 s8, $0xFFFFF086  }
0x1c: {  	p1 =	slt.u32 s9, $0xF7A;
	s5 =	simm.s32 @!p2 $0x0  }
0x1d: {  	s5 =	simm.s32 @p1 $0x1;
	p0 =	seq.s32 s7, s2  }
0x1e: {  	s7 =	smul.u32 @!p0 $0xF7A, s2;
	p2 =	seq.s32 @!p0 s5, $0x0  }
0x1f: {  	s9 =	smul.u32 $0xF7A, s1;
	s8 =	simm.s32 @!p0 $0x1BF5;
	p2 =	por !p2, p0  }
0x20: {  	[sflag:s8] =	ssyncset.s32 @!p0 $0xFFFFF086;
	s6 =	sadd.s32 @!p0 s3, s7;
	s7 =	simm.s32 @!p0 $0x108  }
0x21: {  	s3 =	sadd.s32 s3, s9;
	s6 =	sadd.s32 @!p0 $0x88, s6;
	s7 =	simm.s32 @p2 $0x1082  }
0x22: {  	[simem:s7], [sflag:s8] =	dma.local @!p0 [hbm:s6], $0xF7A  }
0x23: {  	s9 =	sor.u32 $0xD0000000, s2;
	s6 =	simm.s32 $0x108;
	_ =	swait.ge @!p0 [sflag:s8], $0x0  }
0x24: {  	s3 =	sadd.s32 $0x88, s3;
	s6 =	simm.s32 @!p1 $0x1082;
	[sflag:s4] =	ssyncset.s32 $0xFFFFF086  }
0x25: {  	[simem:s6], [sflag:s4] =	dma.local [hbm:s3], $0xF7A  }
0x26: {  	[smem:$0x3F9B] =	sst s1;
	(tag) =	ssettag s2;
	_ =	strace s9  }
0x27: {  	s1 =	sld [smem:$0x3FAB]  }
0x28: {  	s2 =	sld [smem:$0x3FAC]  }
0x29: {  	s4 =	sld [smem:$0x3FAE]  }
0x2a: {  	p0 =	seq.s32 s5, $0x0;
	s5 =	sld [smem:$0x3FAF]  }
0x2b: {  	s6 =	sld [smem:$0x3FB0]  }
0x2c: {  	s7 =	sld [smem:$0x3FB1]  }
0x2d: {  	s3 =	simm.s32 $0x108;
	s8 =	sld [smem:$0x3FB2]  }
0x2e: {  	s3 =	simm.s32 @!p0 $0x1082;
	s9 =	sld [smem:$0x3FB3]  }
0x2f: {  	lr =	sadd.s32 s0, s3;
	s0 =	sld [smem:$0x3FAA]  }
0x30: {  	s3 =	sld [smem:$0x3FAD]  }
0x31: {  	[smem:$0x3FB6] =	sst s10  }
0x32: {  	s10 =	sld [smem:$0x3FB4];
	_ =	sdelay $0x3  }
0x33: {  	p0 =	seq.s32 s10, $0x1;
	s10 =	sld [smem:$0x3FB6];
	_ =	sdelay $0x3  }
0x34: {  	[smem:$0x3FB6] =	sst s10  }
0x35: {  	s10 =	sld [smem:$0x3FB5];
	_ =	sdelay $0x3  }
0x36: {  	p1 =	seq.s32 s10, $0x1;
	s10 =	sld [smem:$0x3FB6];
	_ =	sdelay $0x3  }
0x37: {  	[smem:$0x3FB6] =	sst s10  }
0x38: {  	s10 =	sld [smem:$0x3FB7]  }
0x39: {  	_ = 	snop;
	(pc) =	sbr.ind lr, $3  }
0x3a: {  	_ = 	snop  }
0x3b: {  	_ = 	snop  }
0x3c: {  	p2 =	seq.s32 s10, $0x1;
	s10 =	sld [smem:$0x3FB6]  }
0x3d: {  	_ =	shalt  }
0x3e: {  	_ =	shalt  }
0x3f: {  	_ =	shalt  }
0x40: {  	_ =	shalt  }
0x41: {  	_ =	shalt  }
0x42: {  	_ =	shalt  }
0x43: {  	_ =	shalt  }
0x44: {  	_ =	shalt  }
0x45: {  	_ =	shalt  }
0x46: {  	_ =	shalt  }
0x47: {  	_ =	shalt  }
0x48: {  	_ =	shalt  }
0x49: {  	_ =	shalt  }
0x4a: {  	_ =	shalt  }
0x4b: {  	_ =	shalt  }
0x4c: {  	_ =	shalt  }
0x4d: {  	_ =	shalt  }
0x4e: {  	_ =	shalt  }
0x4f: {  	_ =	shalt  }
0x50: {  	_ =	shalt  }
0x51: {  	_ =	shalt  }
0x52: {  	_ =	shalt  }
0x53: {  	_ =	shalt  }
0x54: {  	_ =	shalt  }
0x55: {  	_ =	shalt  }
0x56: {  	_ =	shalt  }
0x57: {  	_ =	shalt  }
0x58: {  	_ =	shalt  }
0x59: {  	_ =	shalt  }
0x5a: {  	_ =	shalt  }
0x5b: {  	_ =	shalt  }
0x5c: {  	_ =	shalt  }
0x5d: {  	_ =	shalt  }
0x5e: {  	_ =	shalt  }
0x5f: {  	_ =	shalt  }
0x60: {  	_ =	shalt  }
0x61: {  	_ =	shalt  }
0x62: {  	_ =	shalt  }
0x63: {  	_ =	shalt  }
0x64: {  	_ =	shalt  }
0x65: {  	_ =	shalt  }
0x66: {  	_ =	shalt  }
0x67: {  	_ =	shalt  }
0x68: {  	_ =	shalt  }
0x69: {  	_ =	shalt  }
0x6a: {  	_ =	shalt  }
0x6b: {  	_ =	shalt  }
0x6c: {  	_ =	shalt  }
0x6d: {  	_ =	shalt  }
0x6e: {  	_ =	shalt  }
0x6f: {  	_ =	shalt  }
0x70: {  	_ =	shalt  }
0x71: {  	_ =	shalt  }
0x72: {  	_ =	shalt  }
0x73: {  	_ =	shalt  }
0x74: {  	_ =	shalt  }
0x75: {  	_ =	shalt  }
0x76: {  	_ =	shalt  }
0x77: {  	_ =	shalt  }
0x78: {  	_ =	shalt  }
0x79: {  	_ =	shalt  }
0x7a: {  	_ =	shalt  }
0x7b: {  	_ =	shalt  }
0x7c: {  	_ =	shalt  }
0x7d: {  	_ =	shalt  }
0x7e: {  	_ =	shalt  }
0x7f: {  	_ =	shalt  }
0x80: {  	_ =	shalt  }
0x81: {  	_ =	shalt  }
0x82: {  	_ =	shalt  }
0x83: {  	_ =	shalt  }
0x84: {  	_ =	shalt  }
0x85: {  	_ =	shalt  }
0x86: {  	_ =	shalt  }
0x87: {  	_ =	shalt  }
.Lfunc_end0:
.L_simem_size_0:
called_computation.1_lowered:
.L_overlay_start_0:
0x88: {  	s2 =	sld [smem:$0x3FD9]  }
0x89: {  	s3 =	sld [smem:$0x3FFE];
	_ =	sdelay $0x1  }
0x8a: {  	s1 =	srdreg.scid  }
0x8b: {  	s0 =	sand.u32 $0x1, s1  }
0x8c: {  	s17 =	sshll.u32 s0, $0xA;
	s2 =	sadd.s32 s3, s2  }
0x8d: {  	s2 =	sadd.s32 s2, s17  }
0x8e: {  	[smem:$0x3FC2] =	sst s2  }
0x8f: {  	_ = 	snop  }
0x90: {  	s2 =	sld [smem:$0x3FD0];
	(tm) =	ssettm $0x1  }
0x91: {  	s18 =	sld [smem:$0x3FFB];
	_ =	sdelay $0x3  }
0x92: {  	_ =	strace s18  }
0x93: {  	s3 =	sld [smem:$0x3FFC];
	_ =	sdelay $0x3  }
0x94: {  	_ =	strace s3  }
0x95: {  	s3 =	sld [smem:$0x3FFD];
	_ =	sdelay $0x3  }
0x96: {  	_ =	strace s3  }
0x97: {  	_ =	strace $0x8FFFFFFF  }
0x98: {  	s19 =	sld [smem:$0x3FDB];
	_ =	sdelay $0x1  }
0x99: {  	s4 =	simm.s32 $_scs_section_size  }
0x9a: {  	s5 =	simm.s32 $_size__tile_overlayer_lowered;
	s6 =	simm.s32 $_tile_overlayer_lowered  }
0x9b: {  	s22 =	simm.s32 $0x1BFF;
	s21 =	sshll.u32 s6, $0x1;
	s3 =	sadd.s32 s4, s19  }
0x9c: {  	s7 =	simm.s32 $0x0;
	s20 =	sshll.u32 s5, $0x1;
	s5 =	sadd.s32 s21, s3  }
0x9d: {  	[timem:s7], [sflag:s22] =	dma.local [hbm:s5], s20  }
0x9e: {  	_ =	swait.ge [sflag:s22], s20  }
0x9f: {  	s4 =	ssub.s32 $0x0, s20;
	[sflag:s22] =	ssyncset.done $0x0  }
0xa0: {  	[sflag:s22] =	ssyncadd.s32 s4;
	_ =	sdelay $0x1  }
0xa1: {  	s23 =	simm.s32 $0x1B8B  }
0xa2: {  	_ =	swait.ge [sflag:s23], $0x1  }
0xa3: {  	[sflag:s23] =	ssyncset.done $0x0  }
0xa4: {  	s25 =	simm.s32 $0x1B8E;
	s24 =	sld [smem:$0x3FFE];
	[sflag:s23] =	ssyncadd.s32 $0xFFFFFFFF  }
0xa5: {  	s26 =	simm.s32 $execute0_lowered;
	[smem:$0x3FD2] =	sst s25  }
0xa6: {  	s5 =	sshll.u32 s26, $0x1;
	_ =	strace $0x80000049;
	[dreg:$0x1] =	wrdreg $0xFFFFFFFF  }
0xa7: {  	s28 =	simm.s32 $_size_execute0_lowered;
	s3 =	sadd.s32 s3, s5;
	[dreg:$0x0] =	wrdreg $0x0  }
0xa8: {  	s5 =	sshll.u32 s28, $0x1;
	[dreg:$0x2] =	wrdreg s3  }
0xa9: {  	[dreg:$0x3] =	wrdreg s5  }
0xaa: {  	[dreg:$0x4] =	wrdreg $0xC0  }
0xab: {  	_ =	task [dreg:s7], $0x5FFFF  }
0xac: {  	[dreg:$0x1] =	wrdreg $0xFFFFFFFF  }
0xad: {  	[dreg:$0x0] =	wrdreg $0x60  }
0xae: {  	[dreg:$0x2] =	wrdreg s24  }
0xaf: {  	[dreg:$0x3] =	wrdreg s2  }
0xb0: {  	[dreg:$0x4] =	wrdreg $0xC5300  }
0xb1: {  	[dreg:$0x5] =	wrdreg $0x9E200  }
0xb2: {  	[dreg:$0x6] =	wrdreg $0x9  }
0xb3: {  	_ =	task.clear_ibuf [dreg:s7], $0x7FFFF;
	_ =	strace $0x90000049  }
0xb4: {  	s29 =	simm.s32 $0x9;
	_ =	strace $0x8000004B  }
0xb5: {  	_ =	swait.ge [sflag:s29], $0x1  }
0xb6: {  	[sflag:s29] =	ssyncadd.s32 $0xFFFFFFFF  }
0xb7: {  	_ =	strace $0x9000004B  }
0xb8: {  	_ =	sfence  }
0xb9: {  	s30 =	sld [smem:$0x0];
	_ =	sdelay $0x2  }
0xba: {  	s31 =	sshll.u32 s1, $0xD;
	s1 =	sshrl.u32 s1, $0x2  }
0xbb: {  	s3 =	sand.u32 $0x4000, s31;
	s1 =	sadd.s32 s1, s30  }
0xbc: {  	s0 =	sor.u32 s3, s0;
	s1 =	sshll.u32 s1, $0x11  }
0xbd: {  	s0 =	sor.u32 s1, s0  }
0xbe: {  	s0 =	sadd.s32 $0x8F2B, s0  }
0xbf: {  	[sflag:s0] =	ssyncadd.remote.s32 $0x1  }
0xc0: {  	_ =	sfence.sel $0xFFFF  }
0xc1: {  	[dreg:$0x0] =	wrdreg $0xFFFFFFFF;
	(pc) =	sbr.abs _section_cstart, $3  }
0xc2: {  	[dreg:$0x1] =	wrdreg $0xFFFFFFFF  }
0xc3: {  	_ =	task.clear_ibuf [dreg:s7], $0x2FFFF;
	_ =	strace $0x9FFFFFFF  }
0xc4: {  	(tm) =	ssettm $0x7FFFFFFF  }
0xc5: {  	_ =	shalt  }
tec
execute0_lowered:
.L_overlay_start_1:
0x0: {  	(tag) =	ssettag $0x1  }
0x1: {  	s0 =	rddreg [dreg:$0x0]  }
0x2: {  	s1 =	rddreg [dreg:$0x1]  }
0x3: {  	s2 =	rddreg [dreg:$0x2]  }
0x4: {  	s3 =	rddreg [dreg:$0x3]  }
0x5: {  	s12 =	stileid.u32;
	s4 =	srdreg.scid  }
0x6: {  	s13 =	simm.s32 $0x7710;
	s15 =	simm.s32 $0x7;
	s17 =	simm.s32 $0x6  }
0x7: {  	s18 =	simm.s32 $0x7D;
	s19 =	simm.s32 $0x5000;
	s21 =	simm.s32 $0x57D0  }
0x8: {  	s23 =	simm.s32 $0x5FA0;
	s28 =	simm.s32 $0x6F40;
	s29 =	simm.s32 $0x1  }
0x9: {  	s30 =	simm.s32 $0x2;
	s31 =	simm.s32 $0x3;
	s16 =	simm.s32 $0x0  }
0xa: {  	s5 =	sand.u32 $0x1, s4;
	s6 =	sshll.u32 s12, $0x1;
	s4 =	simm.s32 $0x0  }
0xb: {  	s10 =	smul.u32 $0x2710, s12;
	s26 =	sshll.u32 s12, $0x6;
	s6 =	sor.u32 s5, s6  }
0xc: {  	[smem:$0x7FF] =	sst s4;
	s8 =	ssub.s32 $0x2, s5;
	s11 =	smul.u32 $0x27100, s5  }
0xd: {  	s5 =	sadd.s32 $0x1AE00, s0;
	s6 =	smul.u32 $0x2800, s6;
	_ =	strace $0x8000004A  }
0xe: {  	s7 =	sshrl.u32 s10, $0x3;
	s24 =	sshrl.u32 s8, $0x1;
	s14 =	sadd.s32 s10, s2  }
0xf: {  	s7 =	sadd.s32 s7, s0;
	s25 =	ssub.s32 s8, s24;
	s11 =	sadd.s32 s10, s11  }
0x10: {  	s10 =	sadd.s32 s10, s3;
	s14 =	sshrl.u32 s14, $0x3;
	s6 =	sshrl.u32 s6, $0x3  }
0x11: {  	s11 =	sshrl.u32 s11, $0x3;
	s12 =	smax.u32 s25, $0x1;
	s25 =	simm.s32 $0x6770  }
0x12: {  	s9 =	sadd.s32 s6, s0;
	s6 =	sadd.s32 $0x15E00, s7;
	s7 =	sor.u32 $0x1C07, s26  }
0x13: {  	s11 =	sadd.s32 s1, s11;
	s0 =	simm.s32 $0x4;
	s1 =	simm.s32 $0x5  }
0x14: {  	s26 =	simm.s32 $0x4F80;
	s8 =	sadd.s32 $0x1E00, s9;
	s9 =	sadd.s32 $0xBE00, s9  }
.LBB2_1:
0x15: {  	[tilespmem:s13], [sflag:$0x6] =	stream.linear.gather [hbm4b:s6+s4], $0x2710, $0x38;
	[tilespmem:$0xEC40] =	vst v63  }
0x16: {  	[spmem:s14], [sflag:s7] =	dma.local [hbm:s5], $0x4E2  }
0x17: {  	_ =	swait.ge [sflag:s15], $0x4E2  }
0x18: {  	[sflag:s15] =	ssyncset.done $0x0  }
0x19: {  	[sflag:s15] =	ssyncadd.s32 $0xFFFFFB1E  }
0x1a: {  	[tilespmem:s4], [sflag:$0x7] =	stream.linear.gather [hbm4b:s8+s4], $0x2800, $0x38;
	[tilespmem:$0xEC40] =	vst v63  }
0x1b: {  	_ =	swait.ge [sflag:s15], $0x2800  }
0x1c: {  	[sflag:s15] =	ssyncset.done $0x0  }
0x1d: {  	s20 =	simm.s32 $0x2800;
	[sflag:s15] =	ssyncadd.s32 $0xFFFFD800  }
0x1e: {  	[tilespmem:s20], [sflag:$0x7] =	stream.linear.gather [hbm4b:s9+s4], $0x2800, $0x38;
	[tilespmem:$0xEC40] =	vst v63  }
0x1f: {  	_ =	swait.ge [sflag:s15], $0x2800  }
0x20: {  	[sflag:s15] =	ssyncset.done $0x0  }
0x21: {  	[sflag:s15] =	ssyncadd.s32 $0xFFFFD800  }
0x22: {  	_ =	swait.ge [sflag:s17], $0x2710  }
0x23: {  	[sflag:s17] =	ssyncset.done $0x0  }
0x24: {  	[sflag:s17] =	ssyncadd.s32 $0xFFFFD8F0  }
0x25: {  	[spmem:s10] =	stream.linear.scatter [tilespmem:s13], [sflag:$0x7], $0x2710, $0x38;
	[tilespmem:$0xEC40] =	vst v63  }
0x26: {  	_ =	swait.ge [sflag:s15], $0x2710  }
0x27: {  	[sflag:s15] =	ssyncset.done $0x0  }
0x28: {  	[sflag:s15] =	ssyncadd.s32 $0xFFFFD8F0  }
0x29: {  	[bflag:$0x0] =	sbarrier.arrive $0xFFFF  }
0x2a: {  	[tilespmem:s19], [sflag:$0x1] =	stream.indirect.gather [spmem:s3], $0x10, s4, s18, $0xb8;
	[tilespmem:$0xEC40] =	vst v63  }
0x2b: {  	s24 =	simm.s32 $0x80  }
0x2c: {  	[tilespmem:s21], [sflag:$0x2] =	stream.indirect.gather [spmem:s3], $0x10, s24, s18, $0xb8;
	[tilespmem:$0xEC40] =	vst v63  }
0x2d: {  	s22 =	simm.s32 $0x100  }
0x2e: {  	[tilespmem:s23], [sflag:$0x3] =	stream.indirect.gather [spmem:s3], $0x10, s22, s18, $0xb8;
	[tilespmem:$0xEC40] =	vst v63  }
0x2f: {  	s24 =	simm.s32 $0x180  }
0x30: {  	[tilespmem:s25], [sflag:$0x4] =	stream.indirect.gather [spmem:s3], $0x10, s24, s18, $0xb8;
	[tilespmem:$0xEC40] =	vst v63  }
0x31: {  	s22 =	simm.s32 $0x200  }
0x32: {  	[tilespmem:s28], [sflag:$0x5] =	stream.indirect.gather [spmem:s3], $0x10, s22, s18, $0xb8;
	[tilespmem:$0xEC40] =	vst v63  }
0x33: {  	_ =	swait.ge [sflag:s29], $0x7D0  }
0x34: {  	[sflag:s29] =	ssyncset.done $0x0  }
0x35: {  	s24 =	simm.s32 $0x2800;
	[sflag:s29] =	ssyncadd.s32 $0xFFFFF830  }
0x36: {  	[spmem:s2] =	stream.indirect.scatter.add.f32 [tilespmem:s19], [sflag:$0x7], $0x10, s24, s18, $0xb8;
	[tilespmem:$0xEC40] =	vst v63  }
0x37: {  	_ =	swait.ge [sflag:s15], $0x7D0  }
0x38: {  	[sflag:s15] =	ssyncset.done $0x0  }
0x39: {  	s22 =	simm.s32 $0x280;
	[sflag:s15] =	ssyncadd.s32 $0xFFFFF830  }
0x3a: {  	[tilespmem:s19], [sflag:$0x1] =	stream.indirect.gather [spmem:s3], $0x10, s22, s18, $0xb8;
	[tilespmem:$0xEC40] =	vst v63  }
0x3b: {  	_ =	swait.ge [sflag:s30], $0x7D0  }
0x3c: {  	[sflag:s30] =	ssyncset.done $0x0  }
0x3d: {  	s24 =	simm.s32 $0x2880;
	[sflag:s30] =	ssyncadd.s32 $0xFFFFF830  }
0x3e: {  	[spmem:s2] =	stream.indirect.scatter.add.f32 [tilespmem:s21], [sflag:$0x7], $0x10, s24, s18, $0xb8;
	[tilespmem:$0xEC40] =	vst v63  }
0x3f: {  	_ =	swait.ge [sflag:s15], $0x7D0  }
0x40: {  	[sflag:s15] =	ssyncset.done $0x0  }
0x41: {  	s22 =	simm.s32 $0x300;
	[sflag:s15] =	ssyncadd.s32 $0xFFFFF830  }
0x42: {  	[tilespmem:s21], [sflag:$0x2] =	stream.indirect.gather [spmem:s3], $0x10, s22, s18, $0xb8;
	[tilespmem:$0xEC40] =	vst v63  }
0x43: {  	_ =	swait.ge [sflag:s31], $0x7D0  }
0x44: {  	[sflag:s31] =	ssyncset.done $0x0  }
0x45: {  	s24 =	simm.s32 $0x2900;
	[sflag:s31] =	ssyncadd.s32 $0xFFFFF830  }
0x46: {  	[spmem:s2] =	stream.indirect.scatter.add.f32 [tilespmem:s23], [sflag:$0x7], $0x10, s24, s18, $0xb8;
	[tilespmem:$0xEC40] =	vst v63  }
0x47: {  	_ =	swait.ge [sflag:s15], $0x7D0  }
0x48: {  	[sflag:s15] =	ssyncset.done $0x0  }
0x49: {  	s22 =	simm.s32 $0x380;
	[sflag:s15] =	ssyncadd.s32 $0xFFFFF830  }
0x4a: {  	[tilespmem:s23], [sflag:$0x3] =	stream.indirect.gather [spmem:s3], $0x10, s22, s18, $0xb8;
	[tilespmem:$0xEC40] =	vst v63  }
0x4b: {  	_ =	swait.ge [sflag:s0], $0x7D0  }
0x4c: {  	[sflag:s0] =	ssyncset.done $0x0  }
0x4d: {  	s24 =	simm.s32 $0x2980;
	[sflag:s0] =	ssyncadd.s32 $0xFFFFF830  }
0x4e: {  	[spmem:s2] =	stream.indirect.scatter.add.f32 [tilespmem:s25], [sflag:$0x7], $0x10, s24, s18, $0xb8;
	[tilespmem:$0xEC40] =	vst v63  }
0x4f: {  	_ =	swait.ge [sflag:s15], $0x7D0  }
0x50: {  	[sflag:s15] =	ssyncset.done $0x0  }
0x51: {  	s22 =	simm.s32 $0x400;
	[sflag:s15] =	ssyncadd.s32 $0xFFFFF830  }
0x52: {  	[tilespmem:s25], [sflag:$0x4] =	stream.indirect.gather [spmem:s3], $0x10, s22, s18, $0xb8;
	[tilespmem:$0xEC40] =	vst v63  }
0x53: {  	_ =	swait.ge [sflag:s1], $0x7D0  }
0x54: {  	[sflag:s1] =	ssyncset.done $0x0  }
0x55: {  	s24 =	simm.s32 $0x2A00;
	[sflag:s1] =	ssyncadd.s32 $0xFFFFF830  }
0x56: {  	[spmem:s2] =	stream.indirect.scatter.add.f32 [tilespmem:s28], [sflag:$0x7], $0x10, s24, s18, $0xb8;
	[tilespmem:$0xEC40] =	vst v63  }
0x57: {  	_ =	swait.ge [sflag:s15], $0x7D0  }
0x58: {  	[sflag:s15] =	ssyncset.done $0x0  }
0x59: {  	s20 =	simm.s32 $0xA00;
	s22 =	simm.s32 $0x480;
	[sflag:s15] =	ssyncadd.s32 $0xFFFFF830  }
.LBB2_2:
0x5a: {  	[tilespmem:s28], [sflag:$0x5] =	stream.indirect.gather [spmem:s3], $0x10, s22, s18, $0xb8;
	[tilespmem:$0xEC40] =	vst v63  }
0x5b: {  	s22 =	smov.u32 s20  }
0x5c: {  	p0 =	sne.s32 s20, $0x8C00;
	s20 =	sadd.s32 $0xA00, s20;
	_ =	swait.ge [sflag:s29], $0x7D0  }
0x5d: {  	s22 =	sshra.s32 s22, $0x2;
	[sflag:s29] =	ssyncset.done $0x0  }
0x5e: {  	s24 =	sadd.s32 $0x2800, s22;
	[sflag:s29] =	ssyncadd.s32 $0xFFFFF830  }
0x5f: {  	[spmem:s2] =	stream.indirect.scatter.add.f32 [tilespmem:s19], [sflag:$0x7], $0x10, s24, s18, $0xb8;
	[tilespmem:$0xEC40] =	vst v63  }
0x60: {  	_ =	swait.ge [sflag:s15], $0x7D0  }
0x61: {  	[sflag:s15] =	ssyncset.done $0x0  }
0x62: {  	s24 =	sadd.s32 $0x280, s22;
	[sflag:s15] =	ssyncadd.s32 $0xFFFFF830  }
0x63: {  	[tilespmem:s19], [sflag:$0x1] =	stream.indirect.gather [spmem:s3], $0x10, s24, s18, $0xb8;
	[tilespmem:$0xEC40] =	vst v63  }
0x64: {  	_ =	swait.ge [sflag:s30], $0x7D0  }
0x65: {  	[sflag:s30] =	ssyncset.done $0x0  }
0x66: {  	s24 =	sadd.s32 $0x2880, s22;
	[sflag:s30] =	ssyncadd.s32 $0xFFFFF830  }
0x67: {  	[spmem:s2] =	stream.indirect.scatter.add.f32 [tilespmem:s21], [sflag:$0x7], $0x10, s24, s18, $0xb8;
	[tilespmem:$0xEC40] =	vst v63  }
0x68: {  	_ =	swait.ge [sflag:s15], $0x7D0  }
0x69: {  	[sflag:s15] =	ssyncset.done $0x0  }
0x6a: {  	s24 =	sadd.s32 $0x300, s22;
	[sflag:s15] =	ssyncadd.s32 $0xFFFFF830  }
0x6b: {  	[tilespmem:s21], [sflag:$0x2] =	stream.indirect.gather [spmem:s3], $0x10, s24, s18, $0xb8;
	[tilespmem:$0xEC40] =	vst v63  }
0x6c: {  	_ =	swait.ge [sflag:s31], $0x7D0  }
0x6d: {  	[sflag:s31] =	ssyncset.done $0x0  }
0x6e: {  	s24 =	sadd.s32 $0x2900, s22;
	[sflag:s31] =	ssyncadd.s32 $0xFFFFF830  }
0x6f: {  	[spmem:s2] =	stream.indirect.scatter.add.f32 [tilespmem:s23], [sflag:$0x7], $0x10, s24, s18, $0xb8;
	[tilespmem:$0xEC40] =	vst v63  }
0x70: {  	_ =	swait.ge [sflag:s15], $0x7D0  }
0x71: {  	[sflag:s15] =	ssyncset.done $0x0  }
0x72: {  	s24 =	sadd.s32 $0x380, s22;
	[sflag:s15] =	ssyncadd.s32 $0xFFFFF830  }
0x73: {  	[tilespmem:s23], [sflag:$0x3] =	stream.indirect.gather [spmem:s3], $0x10, s24, s18, $0xb8;
	[tilespmem:$0xEC40] =	vst v63  }
0x74: {  	_ =	swait.ge [sflag:s0], $0x7D0  }
0x75: {  	[sflag:s0] =	ssyncset.done $0x0  }
0x76: {  	s24 =	sadd.s32 $0x2980, s22;
	[sflag:s0] =	ssyncadd.s32 $0xFFFFF830  }
0x77: {  	[spmem:s2] =	stream.indirect.scatter.add.f32 [tilespmem:s25], [sflag:$0x7], $0x10, s24, s18, $0xb8;
	[tilespmem:$0xEC40] =	vst v63  }
0x78: {  	_ =	swait.ge [sflag:s15], $0x7D0  }
0x79: {  	[sflag:s15] =	ssyncset.done $0x0  }
0x7a: {  	s24 =	sadd.s32 $0x400, s22;
	[sflag:s15] =	ssyncadd.s32 $0xFFFFF830  }
0x7b: {  	[tilespmem:s25], [sflag:$0x4] =	stream.indirect.gather [spmem:s3], $0x10, s24, s18, $0xb8;
	[tilespmem:$0xEC40] =	vst v63  }
0x7c: {  	_ =	swait.ge [sflag:s1], $0x7D0  }
0x7d: {  	[sflag:s1] =	ssyncset.done $0x0  }
.Ltmp0:
0x7e: {  	s24 =	sadd.s32 $0x2A00, s22;
	[sflag:s1] =	ssyncadd.s32 $0xFFFFF830;
	(pc) =	sbr.rel @p0 .LBB2_2-.Ltmp0, $4  }
0x7f: {  	[spmem:s2] =	stream.indirect.scatter.add.f32 [tilespmem:s28], [sflag:$0x7], $0x10, s24, s18, $0xb8;
	[tilespmem:$0xEC40] =	vst v63  }
0x80: {  	_ =	swait.ge [sflag:s15], $0x7D0  }
0x81: {  	[sflag:s15] =	ssyncset.done $0x0  }
0x82: {  	s22 =	sadd.s32 $0x480, s22;
	[sflag:s15] =	ssyncadd.s32 $0xFFFFF830  }
0x83: {  	[tilespmem:s28], [sflag:$0x5] =	stream.indirect.gather [spmem:s3], $0x10, s22, s18, $0xb8;
	[tilespmem:$0xEC40] =	vst v63  }
0x84: {  	_ =	swait.ge [sflag:s29], $0x7D0  }
0x85: {  	[sflag:s29] =	ssyncset.done $0x0  }
0x86: {  	s20 =	simm.s32 $0x4D80;
	[sflag:s29] =	ssyncadd.s32 $0xFFFFF830  }
0x87: {  	[spmem:s2] =	stream.indirect.scatter.add.f32 [tilespmem:s19], [sflag:$0x7], $0x10, s20, s18, $0xb8;
	[tilespmem:$0xEC40] =	vst v63  }
0x88: {  	_ =	swait.ge [sflag:s15], $0x7D0  }
0x89: {  	[sflag:s15] =	ssyncset.done $0x0  }
0x8a: {  	[sflag:s15] =	ssyncadd.s32 $0xFFFFF830  }
0x8b: {  	_ =	swait.ge [sflag:s30], $0x7D0  }
0x8c: {  	[sflag:s30] =	ssyncset.done $0x0  }
0x8d: {  	s24 =	simm.s32 $0x4E00;
	[sflag:s30] =	ssyncadd.s32 $0xFFFFF830  }
0x8e: {  	[spmem:s2] =	stream.indirect.scatter.add.f32 [tilespmem:s21], [sflag:$0x7], $0x10, s24, s18, $0xb8;
	[tilespmem:$0xEC40] =	vst v63  }
0x8f: {  	_ =	swait.ge [sflag:s15], $0x7D0  }
0x90: {  	[sflag:s15] =	ssyncset.done $0x0  }
0x91: {  	[sflag:s15] =	ssyncadd.s32 $0xFFFFF830  }
0x92: {  	_ =	swait.ge [sflag:s31], $0x7D0  }
0x93: {  	[sflag:s31] =	ssyncset.done $0x0  }
0x94: {  	s22 =	simm.s32 $0x4E80;
	[sflag:s31] =	ssyncadd.s32 $0xFFFFF830  }
0x95: {  	[spmem:s2] =	stream.indirect.scatter.add.f32 [tilespmem:s23], [sflag:$0x7], $0x10, s22, s18, $0xb8;
	[tilespmem:$0xEC40] =	vst v63  }
0x96: {  	_ =	swait.ge [sflag:s15], $0x7D0  }
0x97: {  	[sflag:s15] =	ssyncset.done $0x0  }
0x98: {  	[sflag:s15] =	ssyncadd.s32 $0xFFFFF830  }
0x99: {  	_ =	swait.ge [sflag:s0], $0x7D0  }
0x9a: {  	[sflag:s0] =	ssyncset.done $0x0  }
0x9b: {  	s24 =	simm.s32 $0x4F00;
	[sflag:s0] =	ssyncadd.s32 $0xFFFFF830  }
0x9c: {  	[spmem:s2] =	stream.indirect.scatter.add.f32 [tilespmem:s25], [sflag:$0x7], $0x10, s24, s18, $0xb8;
	[tilespmem:$0xEC40] =	vst v63  }
0x9d: {  	_ =	swait.ge [sflag:s15], $0x7D0  }
0x9e: {  	[sflag:s15] =	ssyncset.done $0x0  }
0x9f: {  	[sflag:s15] =	ssyncadd.s32 $0xFFFFF830  }
0xa0: {  	_ =	swait.ge [sflag:s1], $0x7D0  }
0xa1: {  	[sflag:s1] =	ssyncset.done $0x0  }
0xa2: {  	[sflag:s1] =	ssyncadd.s32 $0xFFFFF830  }
0xa3: {  	[spmem:s2] =	stream.indirect.scatter.add.f32 [tilespmem:s28], [sflag:$0x7], $0x10, s26, s18, $0xb8;
	[tilespmem:$0xEC40] =	vst v63  }
0xa4: {  	_ =	swait.ge [sflag:s15], $0x7D0  }
0xa5: {  	s16 =	sadd.s32 $0x1, s16;
	[sflag:s15] =	ssyncset.done $0x0  }
0xa6: {  	p0 =	sne.s32 s16, s12;
	[sflag:s15] =	ssyncadd.s32 $0xFFFFF830  }
.Ltmp1:
0xa7: {  	[bflag:$0x0] =	sbarrier.arrive $0xFFFF;
	(pc) =	sbr.rel @p0 .LBB2_1-.Ltmp1, $4  }
0xa8: {  	[hbm:s11], [sflag:s7] =	dma.local [spmem:s14], $0x4E2  }
0xa9: {  	_ =	swait.ge [sflag:s15], $0x4E2  }
0xaa: {  	[sflag:s15] =	ssyncset.done $0x0  }
0xab: {  	[sflag:s15] =	ssyncadd.s32 $0xFFFFFB1E  }
0xac: {  	_ =	sfence.sel $0x180000  }
0xad: {  	[bflag:$0x0] =	sbarrier.arrive $0xFFFF  }
0xae: {  	_ =	strace $0x9000004A  }
0xaf: {  	s0 =	stileid.u32;
	[bflag:$0x2] =	sbarrier.arrive $0xFFFF  }
0xb0: {  	p0 =	sne.s32 s0, $0x0;
	s0 =	rddreg [dreg:$0x4]  }
0xb1: {  	s0 =	sadd.s32 @!p0 $0x100000, s0  }
0xb2: {  	[sflag:s0] =	ssyncadd.tile.s32 @!p0 $0x1;
	_ =	shalt  }
.Lfunc_end2:
_tile_overlayer_lowered:
.L_overlay_start_2:
0xb3: {  	(tag) =	ssettag $0x2  }
0xb4: {  	s0 =	rddreg [dreg:$0x0];
	s2 =	stileid.u32  }
0xb5: {  	s1 =	rddreg [dreg:$0x1];
	p0 =	sne.s32 s2, $0x0  }
0xb6: {  	s3 =	rddreg [dreg:$0x2];
	[bflag:$0x3] =	sbarrier.arrive $0xFFFF;
	s2 =	simm.s32 @!p0 $0x1C07  }
0xb7: {  	[timem:s3], [sflag:s2] =	dma.local @!p0 [hbm:s0], s1  }
0xb8: {  	s0 =	simm.s32 @!p0 $0x7  }
0xb9: {  	_ =	swait.ge @!p0 [sflag:s0], s1  }
0xba: {  	s1 =	ssub.s32 @!p0 $0x0, s1;
	[sflag:s0] =	ssyncset.done @!p0 $0x0  }
0xbb: {  	[sflag:s0] =	ssyncadd.s32 @!p0 s1  }
0xbc: {  	[bflag:$0x3] =	sbarrier.arrive $0xFFFF  }
0xbd: {  	_ =	shalt  }

// kernel: kernel.14.cloned.1.call-start
scs
__scs_entry_jumppad:
0x0: {  	(pc) =	sbr.rel $0x88, $3  }
0x1: {  	(tag) =	ssettag $0x0;
	lr =	simm.s32 $0x1  }
0x2: {  	[smem:$0x3F9B] =	sst lr;
	_ =	strace $0xD0000000  }
0x3: {  	_ = 	snop  }
0x4: {  	_ = 	snop  }
0x5: {  	_ = 	snop  }
0x6: {  	_ = 	snop  }
0x7: {  	_ = 	snop  }
__scs_overlays_trampoline_lowered:
0x8: {  	[smem:$0x3FAA] =	sst s0  }
0x9: {  	[smem:$0x3FAB] =	sst s1  }
0xa: {  	[smem:$0x3FAC] =	sst s2  }
0xb: {  	[smem:$0x3FAD] =	sst s3  }
0xc: {  	[smem:$0x3FAE] =	sst s4  }
0xd: {  	[smem:$0x3FAF] =	sst s5  }
0xe: {  	[smem:$0x3FB0] =	sst s6  }
0xf: {  	[smem:$0x3FB1] =	sst s7  }
0x10: {  	[smem:$0x3FB2] =	sst s8  }
0x11: {  	[smem:$0x3FB3] =	sst s9;
	s0 =	simm.s32 @!p0 $0x0  }
0x12: {  	s1 =	sld [smem:$0x3F99];
	s0 =	simm.s32 @p0 $0x1  }
0x13: {  	[smem:$0x3FB4] =	sst s0;
	s0 =	simm.s32 @!p1 $0x0  }
0x14: {  	s2 =	sld [smem:$0x3F98];
	s0 =	simm.s32 @p1 $0x1  }
0x15: {  	[smem:$0x3FB5] =	sst s0;
	s0 =	simm.s32 @!p2 $0x0  }
0x16: {  	s3 =	sld [smem:$0x3FDB];
	s0 =	simm.s32 @p2 $0x1  }
0x17: {  	s4 =	simm.s32 $0x1BF5;
	[smem:$0x3FB7] =	sst s0  }
0x18: {  	s0 =	sld [smem:$0x3F9A];
	_ =	swait.ge [sflag:s4], $0x0  }
0x19: {  	s7 =	sld [smem:$0x3F9B]  }
0x1a: {  	s8 =	sadd.s32 $0xFFFFE003, lr  }
0x1b: {  	s9 =	sadd.s32 $0xFFFFFEF7, lr;
	s5 =	simm.s32 $0xFFFFFFFF;
	p2 =	slt.u32 s8, $0xFFFFF086  }
0x1c: {  	p1 =	slt.u32 s9, $0xF7A;
	s5 =	simm.s32 @!p2 $0x0  }
0x1d: {  	s5 =	simm.s32 @p1 $0x1;
	p0 =	seq.s32 s7, s2  }
0x1e: {  	s7 =	smul.u32 @!p0 $0xF7A, s2;
	p2 =	seq.s32 @!p0 s5, $0x0  }
0x1f: {  	s9 =	smul.u32 $0xF7A, s1;
	s8 =	simm.s32 @!p0 $0x1BF5;
	p2 =	por !p2, p0  }
0x20: {  	[sflag:s8] =	ssyncset.s32 @!p0 $0xFFFFF086;
	s6 =	sadd.s32 @!p0 s3, s7;
	s7 =	simm.s32 @!p0 $0x108  }
0x21: {  	s3 =	sadd.s32 s3, s9;
	s6 =	sadd.s32 @!p0 $0x88, s6;
	s7 =	simm.s32 @p2 $0x1082  }
0x22: {  	[simem:s7], [sflag:s8] =	dma.local @!p0 [hbm:s6], $0xF7A  }
0x23: {  	s9 =	sor.u32 $0xD0000000, s2;
	s6 =	simm.s32 $0x108;
	_ =	swait.ge @!p0 [sflag:s8], $0x0  }
0x24: {  	s3 =	sadd.s32 $0x88, s3;
	s6 =	simm.s32 @!p1 $0x1082;
	[sflag:s4] =	ssyncset.s32 $0xFFFFF086  }
0x25: {  	[simem:s6], [sflag:s4] =	dma.local [hbm:s3], $0xF7A  }
0x26: {  	[smem:$0x3F9B] =	sst s1;
	(tag) =	ssettag s2;
	_ =	strace s9  }
0x27: {  	s1 =	sld [smem:$0x3FAB]  }
0x28: {  	s2 =	sld [smem:$0x3FAC]  }
0x29: {  	s4 =	sld [smem:$0x3FAE]  }
0x2a: {  	p0 =	seq.s32 s5, $0x0;
	s5 =	sld [smem:$0x3FAF]  }
0x2b: {  	s6 =	sld [smem:$0x3FB0]  }
0x2c: {  	s7 =	sld [smem:$0x3FB1]  }
0x2d: {  	s3 =	simm.s32 $0x108;
	s8 =	sld [smem:$0x3FB2]  }
0x2e: {  	s3 =	simm.s32 @!p0 $0x1082;
	s9 =	sld [smem:$0x3FB3]  }
0x2f: {  	lr =	sadd.s32 s0, s3;
	s0 =	sld [smem:$0x3FAA]  }
0x30: {  	s3 =	sld [smem:$0x3FAD]  }
0x31: {  	[smem:$0x3FB6] =	sst s10  }
0x32: {  	s10 =	sld [smem:$0x3FB4];
	_ =	sdelay $0x3  }
0x33: {  	p0 =	seq.s32 s10, $0x1;
	s10 =	sld [smem:$0x3FB6];
	_ =	sdelay $0x3  }
0x34: {  	[smem:$0x3FB6] =	sst s10  }
0x35: {  	s10 =	sld [smem:$0x3FB5];
	_ =	sdelay $0x3  }
0x36: {  	p1 =	seq.s32 s10, $0x1;
	s10 =	sld [smem:$0x3FB6];
	_ =	sdelay $0x3  }
0x37: {  	[smem:$0x3FB6] =	sst s10  }
0x38: {  	s10 =	sld [smem:$0x3FB7]  }
0x39: {  	_ = 	snop;
	(pc) =	sbr.ind lr, $3  }
0x3a: {  	_ = 	snop  }
0x3b: {  	_ = 	snop  }
0x3c: {  	p2 =	seq.s32 s10, $0x1;
	s10 =	sld [smem:$0x3FB6]  }
0x3d: {  	_ =	shalt  }
0x3e: {  	_ =	shalt  }
0x3f: {  	_ =	shalt  }
0x40: {  	_ =	shalt  }
0x41: {  	_ =	shalt  }
0x42: {  	_ =	shalt  }
0x43: {  	_ =	shalt  }
0x44: {  	_ =	shalt  }
0x45: {  	_ =	shalt  }
0x46: {  	_ =	shalt  }
0x47: {  	_ =	shalt  }
0x48: {  	_ =	shalt  }
0x49: {  	_ =	shalt  }
0x4a: {  	_ =	shalt  }
0x4b: {  	_ =	shalt  }
0x4c: {  	_ =	shalt  }
0x4d: {  	_ =	shalt  }
0x4e: {  	_ =	shalt  }
0x4f: {  	_ =	shalt  }
0x50: {  	_ =	shalt  }
0x51: {  	_ =	shalt  }
0x52: {  	_ =	shalt  }
0x53: {  	_ =	shalt  }
0x54: {  	_ =	shalt  }
0x55: {  	_ =	shalt  }
0x56: {  	_ =	shalt  }
0x57: {  	_ =	shalt  }
0x58: {  	_ =	shalt  }
0x59: {  	_ =	shalt  }
0x5a: {  	_ =	shalt  }
0x5b: {  	_ =	shalt  }
0x5c: {  	_ =	shalt  }
0x5d: {  	_ =	shalt  }
0x5e: {  	_ =	shalt  }
0x5f: {  	_ =	shalt  }
0x60: {  	_ =	shalt  }
0x61: {  	_ =	shalt  }
0x62: {  	_ =	shalt  }
0x63: {  	_ =	shalt  }
0x64: {  	_ =	shalt  }
0x65: {  	_ =	shalt  }
0x66: {  	_ =	shalt  }
0x67: {  	_ =	shalt  }
0x68: {  	_ =	shalt  }
0x69: {  	_ =	shalt  }
0x6a: {  	_ =	shalt  }
0x6b: {  	_ =	shalt  }
0x6c: {  	_ =	shalt  }
0x6d: {  	_ =	shalt  }
0x6e: {  	_ =	shalt  }
0x6f: {  	_ =	shalt  }
0x70: {  	_ =	shalt  }
0x71: {  	_ =	shalt  }
0x72: {  	_ =	shalt  }
0x73: {  	_ =	shalt  }
0x74: {  	_ =	shalt  }
0x75: {  	_ =	shalt  }
0x76: {  	_ =	shalt  }
0x77: {  	_ =	shalt  }
0x78: {  	_ =	shalt  }
0x79: {  	_ =	shalt  }
0x7a: {  	_ =	shalt  }
0x7b: {  	_ =	shalt  }
0x7c: {  	_ =	shalt  }
0x7d: {  	_ =	shalt  }
0x7e: {  	_ =	shalt  }
0x7f: {  	_ =	shalt  }
0x80: {  	_ =	shalt  }
0x81: {  	_ =	shalt  }
0x82: {  	_ =	shalt  }
0x83: {  	_ =	shalt  }
0x84: {  	_ =	shalt  }
0x85: {  	_ =	shalt  }
0x86: {  	_ =	shalt  }
0x87: {  	_ =	shalt  }
.Lfunc_end0:
.L_simem_size_0:
called_computation.2_lowered:
.L_overlay_start_0:
0x88: {  	s2 =	sld [smem:$0x3FD9]  }
0x89: {  	s3 =	sld [smem:$0x3FFE];
	_ =	sdelay $0x1  }
0x8a: {  	s1 =	srdreg.scid  }
0x8b: {  	s0 =	sand.u32 $0x1, s1  }
0x8c: {  	s17 =	sshll.u32 s0, $0xA;
	s2 =	sadd.s32 s3, s2  }
0x8d: {  	s2 =	sadd.s32 s2, s17  }
0x8e: {  	[smem:$0x3FC2] =	sst s2  }
0x8f: {  	_ = 	snop  }
0x90: {  	s2 =	sld [smem:$0x3FD0];
	(tm) =	ssettm $0x1  }
0x91: {  	s18 =	sld [smem:$0x3FFB];
	_ =	sdelay $0x3  }
0x92: {  	_ =	strace s18  }
0x93: {  	s3 =	sld [smem:$0x3FFC];
	_ =	sdelay $0x3  }
0x94: {  	_ =	strace s3  }
0x95: {  	s3 =	sld [smem:$0x3FFD];
	_ =	sdelay $0x3  }
0x96: {  	_ =	strace s3  }
0x97: {  	_ =	strace $0x8FFFFFFF  }
0x98: {  	s19 =	sld [smem:$0x3FDB];
	_ =	sdelay $0x1  }
0x99: {  	s4 =	simm.s32 $_scs_section_size  }
0x9a: {  	s5 =	simm.s32 $_size__tile_overlayer_lowered;
	s6 =	simm.s32 $_tile_overlayer_lowered  }
0x9b: {  	s22 =	simm.s32 $0x1BFF;
	s21 =	sshll.u32 s6, $0x1;
	s3 =	sadd.s32 s4, s19  }
0x9c: {  	s7 =	simm.s32 $0x0;
	s20 =	sshll.u32 s5, $0x1;
	s5 =	sadd.s32 s21, s3  }
0x9d: {  	[timem:s7], [sflag:s22] =	dma.local [hbm:s5], s20  }
0x9e: {  	_ =	swait.ge [sflag:s22], s20  }
0x9f: {  	s4 =	ssub.s32 $0x0, s20;
	[sflag:s22] =	ssyncset.done $0x0  }
0xa0: {  	[sflag:s22] =	ssyncadd.s32 s4;
	_ =	sdelay $0x1  }
0xa1: {  	s23 =	simm.s32 $0x1B8B  }
0xa2: {  	_ =	swait.ge [sflag:s23], $0x1  }
0xa3: {  	[sflag:s23] =	ssyncset.done $0x0  }
0xa4: {  	s25 =	simm.s32 $0x1B8E;
	s24 =	sld [smem:$0x3FFE];
	[sflag:s23] =	ssyncadd.s32 $0xFFFFFFFF  }
0xa5: {  	s26 =	simm.s32 $execute0_lowered;
	[smem:$0x3FD2] =	sst s25  }
0xa6: {  	s5 =	sshll.u32 s26, $0x1;
	_ =	strace $0x8000004C;
	[dreg:$0x1] =	wrdreg $0xFFFFFFFF  }
0xa7: {  	s28 =	simm.s32 $_size_execute0_lowered;
	s3 =	sadd.s32 s3, s5;
	[dreg:$0x0] =	wrdreg $0x0  }
0xa8: {  	s5 =	sshll.u32 s28, $0x1;
	[dreg:$0x2] =	wrdreg s3  }
0xa9: {  	[dreg:$0x3] =	wrdreg s5  }
0xaa: {  	[dreg:$0x4] =	wrdreg $0xC0  }
0xab: {  	_ =	task [dreg:s7], $0x5FFFF  }
0xac: {  	[dreg:$0x1] =	wrdreg $0xFFFFFFFF  }
0xad: {  	[dreg:$0x0] =	wrdreg $0x60  }
0xae: {  	[dreg:$0x2] =	wrdreg s2  }
0xaf: {  	[dreg:$0x3] =	wrdreg s24  }
0xb0: {  	[dreg:$0x4] =	wrdreg $0x174F80  }
0xb1: {  	[dreg:$0x5] =	wrdreg $0x113500  }
0xb2: {  	[dreg:$0x6] =	wrdreg $0x9  }
0xb3: {  	_ =	task.clear_ibuf [dreg:s7], $0x7FFFF;
	_ =	strace $0x9000004C  }
0xb4: {  	s29 =	simm.s32 $0x9;
	_ =	strace $0x8000004E  }
0xb5: {  	_ =	swait.ge [sflag:s29], $0x1  }
0xb6: {  	[sflag:s29] =	ssyncadd.s32 $0xFFFFFFFF  }
0xb7: {  	_ =	strace $0x9000004E  }
0xb8: {  	_ =	sfence  }
0xb9: {  	s30 =	sld [smem:$0x0];
	_ =	sdelay $0x2  }
0xba: {  	s31 =	sshll.u32 s1, $0xD;
	s1 =	sshrl.u32 s1, $0x2  }
0xbb: {  	s3 =	sand.u32 $0x4000, s31;
	s1 =	sadd.s32 s1, s30  }
0xbc: {  	s0 =	sor.u32 s3, s0;
	s1 =	sshll.u32 s1, $0x11  }
0xbd: {  	s0 =	sor.u32 s1, s0  }
0xbe: {  	s0 =	sadd.s32 $0x8F2B, s0  }
0xbf: {  	[sflag:s0] =	ssyncadd.remote.s32 $0x1  }
0xc0: {  	_ =	sfence.sel $0xFFFF  }
0xc1: {  	[dreg:$0x0] =	wrdreg $0xFFFFFFFF;
	(pc) =	sbr.abs _section_cstart, $3  }
0xc2: {  	[dreg:$0x1] =	wrdreg $0xFFFFFFFF  }
0xc3: {  	_ =	task.clear_ibuf [dreg:s7], $0x2FFFF;
	_ =	strace $0x9FFFFFFF  }
0xc4: {  	(tm) =	ssettm $0x7FFFFFFF  }
0xc5: {  	_ =	shalt  }
tec
execute0_lowered:
.L_overlay_start_1:
0x0: {  	(tag) =	ssettag $0x1  }
0x1: {  	s0 =	srdreg.scid  }
0x2: {  	s8 =	stileid.u32;
	s1 =	rddreg [dreg:$0x0]  }
0x3: {  	s6 =	rddreg [dreg:$0x1];
	s4 =	simm.s32 $0x0;
	s13 =	simm.s32 $0xB1A8  }
0x4: {  	s15 =	simm.s32 $0x7;
	s17 =	simm.s32 $0x6;
	s18 =	simm.s32 $0x7D  }
0x5: {  	s19 =	simm.s32 $0x5000;
	s21 =	simm.s32 $0x6388;
	s23 =	simm.s32 $0x7710  }
0x6: {  	s28 =	simm.s32 $0x9E20;
	s29 =	simm.s32 $0x1;
	s30 =	simm.s32 $0x2  }
0x7: {  	s31 =	simm.s32 $0x3;
	s16 =	simm.s32 $0x0;
	s0 =	sand.u32 $0x1, s0  }
0x8: {  	s2 =	sshll.u32 s8, $0x1;
	s10 =	smul.u32 $0x61A8, s8;
	[smem:$0x7FF] =	sst s4  }
0x9: {  	s26 =	sshll.u32 s8, $0x6;
	s3 =	sor.u32 s0, s2;
	s7 =	smul.u32 $0x61A80, s0  }
0xa: {  	s2 =	rddreg [dreg:$0x2];
	s0 =	ssub.s32 $0x2, s0;
	s5 =	smul.u32 $0x2800, s3  }
0xb: {  	s3 =	rddreg [dreg:$0x3];
	_ =	strace $0x8000004D;
	s24 =	sshrl.u32 s0, $0x1  }
0xc: {  	s25 =	sshrl.u32 s10, $0x3;
	s14 =	sadd.s32 s10, s2;
	s7 =	sadd.s32 s10, s7  }
0xd: {  	s0 =	ssub.s32 s0, s24;
	s10 =	sadd.s32 s10, s3;
	s14 =	sshrl.u32 s14, $0x3  }
0xe: {  	s5 =	sshrl.u32 s5, $0x3;
	s7 =	sshrl.u32 s7, $0x3;
	s12 =	smax.u32 s0, $0x1  }
0xf: {  	s0 =	simm.s32 $0x5;
	s9 =	sadd.s32 s5, s6;
	s5 =	sadd.s32 $0x15E00, s6  }
0x10: {  	s11 =	sadd.s32 s7, s6;
	s6 =	sadd.s32 s1, s25;
	s7 =	sor.u32 $0x1C07, s26  }
0x11: {  	s25 =	simm.s32 $0x8A98;
	s1 =	simm.s32 $0x4;
	s26 =	simm.s32 $0x4F80  }
0x12: {  	s8 =	sadd.s32 $0x1E00, s9;
	s9 =	sadd.s32 $0xBE00, s9;
	s11 =	sadd.s32 $0x16C00, s11  }
.LBB2_1:
0x13: {  	[tilespmem:s13], [sflag:$0x6] =	stream.linear.gather [hbm4b:s6+s4], $0x61A8, $0x38;
	[tilespmem:$0x1D6A0] =	vst v63  }
0x14: {  	[spmem:s14], [sflag:s7] =	dma.local [hbm:s5], $0xC35  }
0x15: {  	_ =	swait.ge [sflag:s15], $0xC35  }
0x16: {  	[sflag:s15] =	ssyncset.done $0x0  }
0x17: {  	[sflag:s15] =	ssyncadd.s32 $0xFFFFF3CB  }
0x18: {  	[tilespmem:s4], [sflag:$0x7] =	stream.linear.gather [hbm4b:s8+s4], $0x2800, $0x38;
	[tilespmem:$0x1D6A0] =	vst v63  }
0x19: {  	_ =	swait.ge [sflag:s15], $0x2800  }
0x1a: {  	[sflag:s15] =	ssyncset.done $0x0  }
0x1b: {  	s20 =	simm.s32 $0x2800;
	[sflag:s15] =	ssyncadd.s32 $0xFFFFD800  }
0x1c: {  	[tilespmem:s20], [sflag:$0x7] =	stream.linear.gather [hbm4b:s9+s4], $0x2800, $0x38;
	[tilespmem:$0x1D6A0] =	vst v63  }
0x1d: {  	_ =	swait.ge [sflag:s15], $0x2800  }
0x1e: {  	[sflag:s15] =	ssyncset.done $0x0  }
0x1f: {  	[sflag:s15] =	ssyncadd.s32 $0xFFFFD800  }
0x20: {  	_ =	swait.ge [sflag:s17], $0x61A8  }
0x21: {  	[sflag:s17] =	ssyncset.done $0x0  }
0x22: {  	[sflag:s17] =	ssyncadd.s32 $0xFFFF9E58  }
0x23: {  	[spmem:s10] =	stream.linear.scatter [tilespmem:s13], [sflag:$0x7], $0x61A8, $0x38;
	[tilespmem:$0x1D6A0] =	vst v63  }
0x24: {  	_ =	swait.ge [sflag:s15], $0x61A8  }
0x25: {  	[sflag:s15] =	ssyncset.done $0x0  }
0x26: {  	[sflag:s15] =	ssyncadd.s32 $0xFFFF9E58  }
0x27: {  	[bflag:$0x0] =	sbarrier.arrive $0xFFFF  }
0x28: {  	[tilespmem:s19], [sflag:$0x1] =	stream.indirect.gather [spmem:s3], $0x28, s4, s18, $0xb8;
	[tilespmem:$0x1D6A0] =	vst v63  }
0x29: {  	s24 =	simm.s32 $0x80  }
0x2a: {  	[tilespmem:s21], [sflag:$0x2] =	stream.indirect.gather [spmem:s3], $0x28, s24, s18, $0xb8;
	[tilespmem:$0x1D6A0] =	vst v63  }
0x2b: {  	s22 =	simm.s32 $0x100  }
0x2c: {  	[tilespmem:s23], [sflag:$0x3] =	stream.indirect.gather [spmem:s3], $0x28, s22, s18, $0xb8;
	[tilespmem:$0x1D6A0] =	vst v63  }
0x2d: {  	s24 =	simm.s32 $0x180  }
0x2e: {  	[tilespmem:s25], [sflag:$0x4] =	stream.indirect.gather [spmem:s3], $0x28, s24, s18, $0xb8;
	[tilespmem:$0x1D6A0] =	vst v63  }
0x2f: {  	s22 =	simm.s32 $0x200  }
0x30: {  	[tilespmem:s28], [sflag:$0x5] =	stream.indirect.gather [spmem:s3], $0x28, s22, s18, $0xb8;
	[tilespmem:$0x1D6A0] =	vst v63  }
0x31: {  	_ =	swait.ge [sflag:s29], $0x1388  }
0x32: {  	[sflag:s29] =	ssyncset.done $0x0  }
0x33: {  	s24 =	simm.s32 $0x2800;
	[sflag:s29] =	ssyncadd.s32 $0xFFFFEC78  }
0x34: {  	[spmem:s2] =	stream.indirect.scatter.add.f32 [tilespmem:s19], [sflag:$0x7], $0x28, s24, s18, $0xb8;
	[tilespmem:$0x1D6A0] =	vst v63  }
0x35: {  	_ =	swait.ge [sflag:s15], $0x1388  }
0x36: {  	[sflag:s15] =	ssyncset.done $0x0  }
0x37: {  	s22 =	simm.s32 $0x280;
	[sflag:s15] =	ssyncadd.s32 $0xFFFFEC78  }
0x38: {  	[tilespmem:s19], [sflag:$0x1] =	stream.indirect.gather [spmem:s3], $0x28, s22, s18, $0xb8;
	[tilespmem:$0x1D6A0] =	vst v63  }
0x39: {  	_ =	swait.ge [sflag:s30], $0x1388  }
0x3a: {  	[sflag:s30] =	ssyncset.done $0x0  }
0x3b: {  	s24 =	simm.s32 $0x2880;
	[sflag:s30] =	ssyncadd.s32 $0xFFFFEC78  }
0x3c: {  	[spmem:s2] =	stream.indirect.scatter.add.f32 [tilespmem:s21], [sflag:$0x7], $0x28, s24, s18, $0xb8;
	[tilespmem:$0x1D6A0] =	vst v63  }
0x3d: {  	_ =	swait.ge [sflag:s15], $0x1388  }
0x3e: {  	[sflag:s15] =	ssyncset.done $0x0  }
0x3f: {  	s22 =	simm.s32 $0x300;
	[sflag:s15] =	ssyncadd.s32 $0xFFFFEC78  }
0x40: {  	[tilespmem:s21], [sflag:$0x2] =	stream.indirect.gather [spmem:s3], $0x28, s22, s18, $0xb8;
	[tilespmem:$0x1D6A0] =	vst v63  }
0x41: {  	_ =	swait.ge [sflag:s31], $0x1388  }
0x42: {  	[sflag:s31] =	ssyncset.done $0x0  }
0x43: {  	s24 =	simm.s32 $0x2900;
	[sflag:s31] =	ssyncadd.s32 $0xFFFFEC78  }
0x44: {  	[spmem:s2] =	stream.indirect.scatter.add.f32 [tilespmem:s23], [sflag:$0x7], $0x28, s24, s18, $0xb8;
	[tilespmem:$0x1D6A0] =	vst v63  }
0x45: {  	_ =	swait.ge [sflag:s15], $0x1388  }
0x46: {  	[sflag:s15] =	ssyncset.done $0x0  }
0x47: {  	s22 =	simm.s32 $0x380;
	[sflag:s15] =	ssyncadd.s32 $0xFFFFEC78  }
0x48: {  	[tilespmem:s23], [sflag:$0x3] =	stream.indirect.gather [spmem:s3], $0x28, s22, s18, $0xb8;
	[tilespmem:$0x1D6A0] =	vst v63  }
0x49: {  	_ =	swait.ge [sflag:s1], $0x1388  }
0x4a: {  	[sflag:s1] =	ssyncset.done $0x0  }
0x4b: {  	s24 =	simm.s32 $0x2980;
	[sflag:s1] =	ssyncadd.s32 $0xFFFFEC78  }
0x4c: {  	[spmem:s2] =	stream.indirect.scatter.add.f32 [tilespmem:s25], [sflag:$0x7], $0x28, s24, s18, $0xb8;
	[tilespmem:$0x1D6A0] =	vst v63  }
0x4d: {  	_ =	swait.ge [sflag:s15], $0x1388  }
0x4e: {  	[sflag:s15] =	ssyncset.done $0x0  }
0x4f: {  	s22 =	simm.s32 $0x400;
	[sflag:s15] =	ssyncadd.s32 $0xFFFFEC78  }
0x50: {  	[tilespmem:s25], [sflag:$0x4] =	stream.indirect.gather [spmem:s3], $0x28, s22, s18, $0xb8;
	[tilespmem:$0x1D6A0] =	vst v63  }
0x51: {  	_ =	swait.ge [sflag:s0], $0x1388  }
0x52: {  	[sflag:s0] =	ssyncset.done $0x0  }
0x53: {  	s24 =	simm.s32 $0x2A00;
	[sflag:s0] =	ssyncadd.s32 $0xFFFFEC78  }
0x54: {  	[spmem:s2] =	stream.indirect.scatter.add.f32 [tilespmem:s28], [sflag:$0x7], $0x28, s24, s18, $0xb8;
	[tilespmem:$0x1D6A0] =	vst v63  }
0x55: {  	_ =	swait.ge [sflag:s15], $0x1388  }
0x56: {  	[sflag:s15] =	ssyncset.done $0x0  }
0x57: {  	s20 =	simm.s32 $0xA00;
	s22 =	simm.s32 $0x480;
	[sflag:s15] =	ssyncadd.s32 $0xFFFFEC78  }
.LBB2_2:
0x58: {  	[tilespmem:s28], [sflag:$0x5] =	stream.indirect.gather [spmem:s3], $0x28, s22, s18, $0xb8;
	[tilespmem:$0x1D6A0] =	vst v63  }
0x59: {  	s22 =	smov.u32 s20  }
0x5a: {  	p0 =	sne.s32 s20, $0x8C00;
	s20 =	sadd.s32 $0xA00, s20;
	_ =	swait.ge [sflag:s29], $0x1388  }
0x5b: {  	s22 =	sshra.s32 s22, $0x2;
	[sflag:s29] =	ssyncset.done $0x0  }
0x5c: {  	s24 =	sadd.s32 $0x2800, s22;
	[sflag:s29] =	ssyncadd.s32 $0xFFFFEC78  }
0x5d: {  	[spmem:s2] =	stream.indirect.scatter.add.f32 [tilespmem:s19], [sflag:$0x7], $0x28, s24, s18, $0xb8;
	[tilespmem:$0x1D6A0] =	vst v63  }
0x5e: {  	_ =	swait.ge [sflag:s15], $0x1388  }
0x5f: {  	[sflag:s15] =	ssyncset.done $0x0  }
0x60: {  	s24 =	sadd.s32 $0x280, s22;
	[sflag:s15] =	ssyncadd.s32 $0xFFFFEC78  }
0x61: {  	[tilespmem:s19], [sflag:$0x1] =	stream.indirect.gather [spmem:s3], $0x28, s24, s18, $0xb8;
	[tilespmem:$0x1D6A0] =	vst v63  }
0x62: {  	_ =	swait.ge [sflag:s30], $0x1388  }
0x63: {  	[sflag:s30] =	ssyncset.done $0x0  }
0x64: {  	s24 =	sadd.s32 $0x2880, s22;
	[sflag:s30] =	ssyncadd.s32 $0xFFFFEC78  }
0x65: {  	[spmem:s2] =	stream.indirect.scatter.add.f32 [tilespmem:s21], [sflag:$0x7], $0x28, s24, s18, $0xb8;
	[tilespmem:$0x1D6A0] =	vst v63  }
0x66: {  	_ =	swait.ge [sflag:s15], $0x1388  }
0x67: {  	[sflag:s15] =	ssyncset.done $0x0  }
0x68: {  	s24 =	sadd.s32 $0x300, s22;
	[sflag:s15] =	ssyncadd.s32 $0xFFFFEC78  }
0x69: {  	[tilespmem:s21], [sflag:$0x2] =	stream.indirect.gather [spmem:s3], $0x28, s24, s18, $0xb8;
	[tilespmem:$0x1D6A0] =	vst v63  }
0x6a: {  	_ =	swait.ge [sflag:s31], $0x1388  }
0x6b: {  	[sflag:s31] =	ssyncset.done $0x0  }
0x6c: {  	s24 =	sadd.s32 $0x2900, s22;
	[sflag:s31] =	ssyncadd.s32 $0xFFFFEC78  }
0x6d: {  	[spmem:s2] =	stream.indirect.scatter.add.f32 [tilespmem:s23], [sflag:$0x7], $0x28, s24, s18, $0xb8;
	[tilespmem:$0x1D6A0] =	vst v63  }
0x6e: {  	_ =	swait.ge [sflag:s15], $0x1388  }
0x6f: {  	[sflag:s15] =	ssyncset.done $0x0  }
0x70: {  	s24 =	sadd.s32 $0x380, s22;
	[sflag:s15] =	ssyncadd.s32 $0xFFFFEC78  }
0x71: {  	[tilespmem:s23], [sflag:$0x3] =	stream.indirect.gather [spmem:s3], $0x28, s24, s18, $0xb8;
	[tilespmem:$0x1D6A0] =	vst v63  }
0x72: {  	_ =	swait.ge [sflag:s1], $0x1388  }
0x73: {  	[sflag:s1] =	ssyncset.done $0x0  }
0x74: {  	s24 =	sadd.s32 $0x2980, s22;
	[sflag:s1] =	ssyncadd.s32 $0xFFFFEC78  }
0x75: {  	[spmem:s2] =	stream.indirect.scatter.add.f32 [tilespmem:s25], [sflag:$0x7], $0x28, s24, s18, $0xb8;
	[tilespmem:$0x1D6A0] =	vst v63  }
0x76: {  	_ =	swait.ge [sflag:s15], $0x1388  }
0x77: {  	[sflag:s15] =	ssyncset.done $0x0  }
0x78: {  	s24 =	sadd.s32 $0x400, s22;
	[sflag:s15] =	ssyncadd.s32 $0xFFFFEC78  }
0x79: {  	[tilespmem:s25], [sflag:$0x4] =	stream.indirect.gather [spmem:s3], $0x28, s24, s18, $0xb8;
	[tilespmem:$0x1D6A0] =	vst v63  }
0x7a: {  	_ =	swait.ge [sflag:s0], $0x1388  }
0x7b: {  	[sflag:s0] =	ssyncset.done $0x0  }
.Ltmp0:
0x7c: {  	s24 =	sadd.s32 $0x2A00, s22;
	[sflag:s0] =	ssyncadd.s32 $0xFFFFEC78;
	(pc) =	sbr.rel @p0 .LBB2_2-.Ltmp0, $4  }
0x7d: {  	[spmem:s2] =	stream.indirect.scatter.add.f32 [tilespmem:s28], [sflag:$0x7], $0x28, s24, s18, $0xb8;
	[tilespmem:$0x1D6A0] =	vst v63  }
0x7e: {  	_ =	swait.ge [sflag:s15], $0x1388  }
0x7f: {  	[sflag:s15] =	ssyncset.done $0x0  }
0x80: {  	s22 =	sadd.s32 $0x480, s22;
	[sflag:s15] =	ssyncadd.s32 $0xFFFFEC78  }
0x81: {  	[tilespmem:s28], [sflag:$0x5] =	stream.indirect.gather [spmem:s3], $0x28, s22, s18, $0xb8;
	[tilespmem:$0x1D6A0] =	vst v63  }
0x82: {  	_ =	swait.ge [sflag:s29], $0x1388  }
0x83: {  	[sflag:s29] =	ssyncset.done $0x0  }
0x84: {  	s20 =	simm.s32 $0x4D80;
	[sflag:s29] =	ssyncadd.s32 $0xFFFFEC78  }
0x85: {  	[spmem:s2] =	stream.indirect.scatter.add.f32 [tilespmem:s19], [sflag:$0x7], $0x28, s20, s18, $0xb8;
	[tilespmem:$0x1D6A0] =	vst v63  }
0x86: {  	_ =	swait.ge [sflag:s15], $0x1388  }
0x87: {  	[sflag:s15] =	ssyncset.done $0x0  }
0x88: {  	[sflag:s15] =	ssyncadd.s32 $0xFFFFEC78  }
0x89: {  	_ =	swait.ge [sflag:s30], $0x1388  }
0x8a: {  	[sflag:s30] =	ssyncset.done $0x0  }
0x8b: {  	s24 =	simm.s32 $0x4E00;
	[sflag:s30] =	ssyncadd.s32 $0xFFFFEC78  }
0x8c: {  	[spmem:s2] =	stream.indirect.scatter.add.f32 [tilespmem:s21], [sflag:$0x7], $0x28, s24, s18, $0xb8;
	[tilespmem:$0x1D6A0] =	vst v63  }
0x8d: {  	_ =	swait.ge [sflag:s15], $0x1388  }
0x8e: {  	[sflag:s15] =	ssyncset.done $0x0  }
0x8f: {  	[sflag:s15] =	ssyncadd.s32 $0xFFFFEC78  }
0x90: {  	_ =	swait.ge [sflag:s31], $0x1388  }
0x91: {  	[sflag:s31] =	ssyncset.done $0x0  }
0x92: {  	s22 =	simm.s32 $0x4E80;
	[sflag:s31] =	ssyncadd.s32 $0xFFFFEC78  }
0x93: {  	[spmem:s2] =	stream.indirect.scatter.add.f32 [tilespmem:s23], [sflag:$0x7], $0x28, s22, s18, $0xb8;
	[tilespmem:$0x1D6A0] =	vst v63  }
0x94: {  	_ =	swait.ge [sflag:s15], $0x1388  }
0x95: {  	[sflag:s15] =	ssyncset.done $0x0  }
0x96: {  	[sflag:s15] =	ssyncadd.s32 $0xFFFFEC78  }
0x97: {  	_ =	swait.ge [sflag:s1], $0x1388  }
0x98: {  	[sflag:s1] =	ssyncset.done $0x0  }
0x99: {  	s24 =	simm.s32 $0x4F00;
	[sflag:s1] =	ssyncadd.s32 $0xFFFFEC78  }
0x9a: {  	[spmem:s2] =	stream.indirect.scatter.add.f32 [tilespmem:s25], [sflag:$0x7], $0x28, s24, s18, $0xb8;
	[tilespmem:$0x1D6A0] =	vst v63  }
0x9b: {  	_ =	swait.ge [sflag:s15], $0x1388  }
0x9c: {  	[sflag:s15] =	ssyncset.done $0x0  }
0x9d: {  	[sflag:s15] =	ssyncadd.s32 $0xFFFFEC78  }
0x9e: {  	_ =	swait.ge [sflag:s0], $0x1388  }
0x9f: {  	[sflag:s0] =	ssyncset.done $0x0  }
0xa0: {  	[sflag:s0] =	ssyncadd.s32 $0xFFFFEC78  }
0xa1: {  	[spmem:s2] =	stream.indirect.scatter.add.f32 [tilespmem:s28], [sflag:$0x7], $0x28, s26, s18, $0xb8;
	[tilespmem:$0x1D6A0] =	vst v63  }
0xa2: {  	_ =	swait.ge [sflag:s15], $0x1388  }
0xa3: {  	s16 =	sadd.s32 $0x1, s16;
	[sflag:s15] =	ssyncset.done $0x0  }
0xa4: {  	p0 =	sne.s32 s16, s12;
	[sflag:s15] =	ssyncadd.s32 $0xFFFFEC78  }
.Ltmp1:
0xa5: {  	[bflag:$0x0] =	sbarrier.arrive $0xFFFF;
	(pc) =	sbr.rel @p0 .LBB2_1-.Ltmp1, $4  }
0xa6: {  	[hbm:s11], [sflag:s7] =	dma.local [spmem:s14], $0xC35  }
0xa7: {  	_ =	swait.ge [sflag:s15], $0xC35  }
0xa8: {  	[sflag:s15] =	ssyncset.done $0x0  }
0xa9: {  	[sflag:s15] =	ssyncadd.s32 $0xFFFFF3CB  }
0xaa: {  	_ =	sfence.sel $0x180000  }
0xab: {  	[bflag:$0x0] =	sbarrier.arrive $0xFFFF  }
0xac: {  	_ =	strace $0x9000004D  }
0xad: {  	s0 =	stileid.u32;
	[bflag:$0x2] =	sbarrier.arrive $0xFFFF  }
0xae: {  	p0 =	sne.s32 s0, $0x0;
	s0 =	rddreg [dreg:$0x4]  }
0xaf: {  	s0 =	sadd.s32 @!p0 $0x100000, s0  }
0xb0: {  	[sflag:s0] =	ssyncadd.tile.s32 @!p0 $0x1;
	_ =	shalt  }
.Lfunc_end2:
_tile_overlayer_lowered:
.L_overlay_start_2:
0xb1: {  	(tag) =	ssettag $0x2  }
0xb2: {  	s0 =	rddreg [dreg:$0x0];
	s2 =	stileid.u32  }
0xb3: {  	s1 =	rddreg [dreg:$0x1];
	p0 =	sne.s32 s2, $0x0  }
0xb4: {  	s3 =	rddreg [dreg:$0x2];
	[bflag:$0x3] =	sbarrier.arrive $0xFFFF;
	s2 =	simm.s32 @!p0 $0x1C07  }
0xb5: {  	[timem:s3], [sflag:s2] =	dma.local @!p0 [hbm:s0], s1  }
0xb6: {  	s0 =	simm.s32 @!p0 $0x7  }
0xb7: {  	_ =	swait.ge @!p0 [sflag:s0], s1  }
0xb8: {  	s1 =	ssub.s32 @!p0 $0x0, s1;
	[sflag:s0] =	ssyncset.done @!p0 $0x0  }
0xb9: {  	[sflag:s0] =	ssyncadd.s32 @!p0 s1  }
0xba: {  	[bflag:$0x3] =	sbarrier.arrive $0xFFFF  }
0xbb: {  	_ =	shalt  }

// kernel: kernel.8.cloned.1.call-start
scs
__scs_entry_jumppad:
0x0: {  	(pc) =	sbr.rel $0x88, $3  }
0x1: {  	(tag) =	ssettag $0x0;
	lr =	simm.s32 $0x1  }
0x2: {  	[smem:$0x3F9B] =	sst lr;
	_ =	strace $0xD0000000  }
0x3: {  	_ = 	snop  }
0x4: {  	_ = 	snop  }
0x5: {  	_ = 	snop  }
0x6: {  	_ = 	snop  }
0x7: {  	_ = 	snop  }
__scs_overlays_trampoline_lowered:
0x8: {  	[smem:$0x3FAA] =	sst s0  }
0x9: {  	[smem:$0x3FAB] =	sst s1  }
0xa: {  	[smem:$0x3FAC] =	sst s2  }
0xb: {  	[smem:$0x3FAD] =	sst s3  }
0xc: {  	[smem:$0x3FAE] =	sst s4  }
0xd: {  	[smem:$0x3FAF] =	sst s5  }
0xe: {  	[smem:$0x3FB0] =	sst s6  }
0xf: {  	[smem:$0x3FB1] =	sst s7  }
0x10: {  	[smem:$0x3FB2] =	sst s8  }
0x11: {  	[smem:$0x3FB3] =	sst s9;
	s0 =	simm.s32 @!p0 $0x0  }
0x12: {  	s1 =	sld [smem:$0x3F99];
	s0 =	simm.s32 @p0 $0x1  }
0x13: {  	[smem:$0x3FB4] =	sst s0;
	s0 =	simm.s32 @!p1 $0x0  }
0x14: {  	s2 =	sld [smem:$0x3F98];
	s0 =	simm.s32 @p1 $0x1  }
0x15: {  	[smem:$0x3FB5] =	sst s0;
	s0 =	simm.s32 @!p2 $0x0  }
0x16: {  	s3 =	sld [smem:$0x3FDB];
	s0 =	simm.s32 @p2 $0x1  }
0x17: {  	s4 =	simm.s32 $0x1BF5;
	[smem:$0x3FB7] =	sst s0  }
0x18: {  	s0 =	sld [smem:$0x3F9A];
	_ =	swait.ge [sflag:s4], $0x0  }
0x19: {  	s7 =	sld [smem:$0x3F9B]  }
0x1a: {  	s8 =	sadd.s32 $0xFFFFE003, lr  }
0x1b: {  	s9 =	sadd.s32 $0xFFFFFEF7, lr;
	s5 =	simm.s32 $0xFFFFFFFF;
	p2 =	slt.u32 s8, $0xFFFFF086  }
0x1c: {  	p1 =	slt.u32 s9, $0xF7A;
	s5 =	simm.s32 @!p2 $0x0  }
0x1d: {  	s5 =	simm.s32 @p1 $0x1;
	p0 =	seq.s32 s7, s2  }
0x1e: {  	s7 =	smul.u32 @!p0 $0xF7A, s2;
	p2 =	seq.s32 @!p0 s5, $0x0  }
0x1f: {  	s9 =	smul.u32 $0xF7A, s1;
	s8 =	simm.s32 @!p0 $0x1BF5;
	p2 =	por !p2, p0  }
0x20: {  	[sflag:s8] =	ssyncset.s32 @!p0 $0xFFFFF086;
	s6 =	sadd.s32 @!p0 s3, s7;
	s7 =	simm.s32 @!p0 $0x108  }
0x21: {  	s3 =	sadd.s32 s3, s9;
	s6 =	sadd.s32 @!p0 $0x88, s6;
	s7 =	simm.s32 @p2 $0x1082  }
0x22: {  	[simem:s7], [sflag:s8] =	dma.local @!p0 [hbm:s6], $0xF7A  }
0x23: {  	s9 =	sor.u32 $0xD0000000, s2;
	s6 =	simm.s32 $0x108;
	_ =	swait.ge @!p0 [sflag:s8], $0x0  }
0x24: {  	s3 =	sadd.s32 $0x88, s3;
	s6 =	simm.s32 @!p1 $0x1082;
	[sflag:s4] =	ssyncset.s32 $0xFFFFF086  }
0x25: {  	[simem:s6], [sflag:s4] =	dma.local [hbm:s3], $0xF7A  }
0x26: {  	[smem:$0x3F9B] =	sst s1;
	(tag) =	ssettag s2;
	_ =	strace s9  }
0x27: {  	s1 =	sld [smem:$0x3FAB]  }
0x28: {  	s2 =	sld [smem:$0x3FAC]  }
0x29: {  	s4 =	sld [smem:$0x3FAE]  }
0x2a: {  	p0 =	seq.s32 s5, $0x0;
	s5 =	sld [smem:$0x3FAF]  }
0x2b: {  	s6 =	sld [smem:$0x3FB0]  }
0x2c: {  	s7 =	sld [smem:$0x3FB1]  }
0x2d: {  	s3 =	simm.s32 $0x108;
	s8 =	sld [smem:$0x3FB2]  }
0x2e: {  	s3 =	simm.s32 @!p0 $0x1082;
	s9 =	sld [smem:$0x3FB3]  }
0x2f: {  	lr =	sadd.s32 s0, s3;
	s0 =	sld [smem:$0x3FAA]  }
0x30: {  	s3 =	sld [smem:$0x3FAD]  }
0x31: {  	[smem:$0x3FB6] =	sst s10  }
0x32: {  	s10 =	sld [smem:$0x3FB4];
	_ =	sdelay $0x3  }
0x33: {  	p0 =	seq.s32 s10, $0x1;
	s10 =	sld [smem:$0x3FB6];
	_ =	sdelay $0x3  }
0x34: {  	[smem:$0x3FB6] =	sst s10  }
0x35: {  	s10 =	sld [smem:$0x3FB5];
	_ =	sdelay $0x3  }
0x36: {  	p1 =	seq.s32 s10, $0x1;
	s10 =	sld [smem:$0x3FB6];
	_ =	sdelay $0x3  }
0x37: {  	[smem:$0x3FB6] =	sst s10  }
0x38: {  	s10 =	sld [smem:$0x3FB7]  }
0x39: {  	_ = 	snop;
	(pc) =	sbr.ind lr, $3  }
0x3a: {  	_ = 	snop  }
0x3b: {  	_ = 	snop  }
0x3c: {  	p2 =	seq.s32 s10, $0x1;
	s10 =	sld [smem:$0x3FB6]  }
0x3d: {  	_ =	shalt  }
0x3e: {  	_ =	shalt  }
0x3f: {  	_ =	shalt  }
0x40: {  	_ =	shalt  }
0x41: {  	_ =	shalt  }
0x42: {  	_ =	shalt  }
0x43: {  	_ =	shalt  }
0x44: {  	_ =	shalt  }
0x45: {  	_ =	shalt  }
0x46: {  	_ =	shalt  }
0x47: {  	_ =	shalt  }
0x48: {  	_ =	shalt  }
0x49: {  	_ =	shalt  }
0x4a: {  	_ =	shalt  }
0x4b: {  	_ =	shalt  }
0x4c: {  	_ =	shalt  }
0x4d: {  	_ =	shalt  }
0x4e: {  	_ =	shalt  }
0x4f: {  	_ =	shalt  }
0x50: {  	_ =	shalt  }
0x51: {  	_ =	shalt  }
0x52: {  	_ =	shalt  }
0x53: {  	_ =	shalt  }
0x54: {  	_ =	shalt  }
0x55: {  	_ =	shalt  }
0x56: {  	_ =	shalt  }
0x57: {  	_ =	shalt  }
0x58: {  	_ =	shalt  }
0x59: {  	_ =	shalt  }
0x5a: {  	_ =	shalt  }
0x5b: {  	_ =	shalt  }
0x5c: {  	_ =	shalt  }
0x5d: {  	_ =	shalt  }
0x5e: {  	_ =	shalt  }
0x5f: {  	_ =	shalt  }
0x60: {  	_ =	shalt  }
0x61: {  	_ =	shalt  }
0x62: {  	_ =	shalt  }
0x63: {  	_ =	shalt  }
0x64: {  	_ =	shalt  }
0x65: {  	_ =	shalt  }
0x66: {  	_ =	shalt  }
0x67: {  	_ =	shalt  }
0x68: {  	_ =	shalt  }
0x69: {  	_ =	shalt  }
0x6a: {  	_ =	shalt  }
0x6b: {  	_ =	shalt  }
0x6c: {  	_ =	shalt  }
0x6d: {  	_ =	shalt  }
0x6e: {  	_ =	shalt  }
0x6f: {  	_ =	shalt  }
0x70: {  	_ =	shalt  }
0x71: {  	_ =	shalt  }
0x72: {  	_ =	shalt  }
0x73: {  	_ =	shalt  }
0x74: {  	_ =	shalt  }
0x75: {  	_ =	shalt  }
0x76: {  	_ =	shalt  }
0x77: {  	_ =	shalt  }
0x78: {  	_ =	shalt  }
0x79: {  	_ =	shalt  }
0x7a: {  	_ =	shalt  }
0x7b: {  	_ =	shalt  }
0x7c: {  	_ =	shalt  }
0x7d: {  	_ =	shalt  }
0x7e: {  	_ =	shalt  }
0x7f: {  	_ =	shalt  }
0x80: {  	_ =	shalt  }
0x81: {  	_ =	shalt  }
0x82: {  	_ =	shalt  }
0x83: {  	_ =	shalt  }
0x84: {  	_ =	shalt  }
0x85: {  	_ =	shalt  }
0x86: {  	_ =	shalt  }
0x87: {  	_ =	shalt  }
.Lfunc_end0:
.L_simem_size_0:
called_computation_lowered:
.L_overlay_start_0:
0x88: {  	s2 =	sld [smem:$0x3FD9]  }
0x89: {  	s3 =	sld [smem:$0x3FFE];
	_ =	sdelay $0x1  }
0x8a: {  	s1 =	srdreg.scid  }
0x8b: {  	s0 =	sand.u32 $0x1, s1  }
0x8c: {  	s17 =	sshll.u32 s0, $0xA;
	s2 =	sadd.s32 s3, s2  }
0x8d: {  	s2 =	sadd.s32 s2, s17  }
0x8e: {  	[smem:$0x3FC2] =	sst s2  }
0x8f: {  	_ = 	snop  }
0x90: {  	s2 =	sld [smem:$0x3FD0];
	(tm) =	ssettm $0x1  }
0x91: {  	s18 =	sld [smem:$0x3FFB];
	_ =	sdelay $0x3  }
0x92: {  	_ =	strace s18  }
0x93: {  	s3 =	sld [smem:$0x3FFC];
	_ =	sdelay $0x3  }
0x94: {  	_ =	strace s3  }
0x95: {  	s3 =	sld [smem:$0x3FFD];
	_ =	sdelay $0x3  }
0x96: {  	_ =	strace s3  }
0x97: {  	_ =	strace $0x8FFFFFFF  }
0x98: {  	s19 =	sld [smem:$0x3FDB];
	_ =	sdelay $0x1  }
0x99: {  	s4 =	simm.s32 $_scs_section_size  }
0x9a: {  	s5 =	simm.s32 $_size__tile_overlayer_lowered;
	s6 =	simm.s32 $_tile_overlayer_lowered  }
0x9b: {  	s22 =	simm.s32 $0x1BFF;
	s21 =	sshll.u32 s6, $0x1;
	s3 =	sadd.s32 s4, s19  }
0x9c: {  	s7 =	simm.s32 $0x0;
	s20 =	sshll.u32 s5, $0x1;
	s5 =	sadd.s32 s21, s3  }
0x9d: {  	[timem:s7], [sflag:s22] =	dma.local [hbm:s5], s20  }
0x9e: {  	_ =	swait.ge [sflag:s22], s20  }
0x9f: {  	s4 =	ssub.s32 $0x0, s20;
	[sflag:s22] =	ssyncset.done $0x0  }
0xa0: {  	[sflag:s22] =	ssyncadd.s32 s4;
	_ =	sdelay $0x1  }
0xa1: {  	s23 =	simm.s32 $0x1B8B  }
0xa2: {  	_ =	swait.ge [sflag:s23], $0x1  }
0xa3: {  	[sflag:s23] =	ssyncset.done $0x0  }
0xa4: {  	s25 =	simm.s32 $0x1B8E;
	s24 =	sld [smem:$0x3FFE];
	[sflag:s23] =	ssyncadd.s32 $0xFFFFFFFF  }
0xa5: {  	s26 =	simm.s32 $execute0_lowered;
	[smem:$0x3FD2] =	sst s25  }
0xa6: {  	s5 =	sshll.u32 s26, $0x1;
	_ =	strace $0x80000046;
	[dreg:$0x1] =	wrdreg $0xFFFFFFFF  }
0xa7: {  	s28 =	simm.s32 $_size_execute0_lowered;
	s3 =	sadd.s32 s3, s5;
	[dreg:$0x0] =	wrdreg $0x0  }
0xa8: {  	s5 =	sshll.u32 s28, $0x1;
	[dreg:$0x2] =	wrdreg s3  }
0xa9: {  	[dreg:$0x3] =	wrdreg s5  }
0xaa: {  	[dreg:$0x4] =	wrdreg $0xC0  }
0xab: {  	_ =	task [dreg:s7], $0x5FFFF  }
0xac: {  	[dreg:$0x1] =	wrdreg $0xFFFFFFFF  }
0xad: {  	[dreg:$0x0] =	wrdreg $0x60  }
0xae: {  	[dreg:$0x2] =	wrdreg s24  }
0xaf: {  	[dreg:$0x3] =	wrdreg s2  }
0xb0: {  	[dreg:$0x4] =	wrdreg $0x2BE80  }
0xb1: {  	[dreg:$0x5] =	wrdreg $0x9  }
0xb2: {  	_ =	task.clear_ibuf [dreg:s7], $0x6FFFF;
	_ =	strace $0x90000046  }
0xb3: {  	s29 =	simm.s32 $0x9;
	_ =	strace $0x80000048  }
0xb4: {  	_ =	swait.ge [sflag:s29], $0x1  }
0xb5: {  	[sflag:s29] =	ssyncadd.s32 $0xFFFFFFFF  }
0xb6: {  	_ =	strace $0x90000048  }
0xb7: {  	_ =	sfence  }
0xb8: {  	s30 =	sld [smem:$0x0];
	_ =	sdelay $0x2  }
0xb9: {  	s31 =	sshll.u32 s1, $0xD;
	s1 =	sshrl.u32 s1, $0x2  }
0xba: {  	s3 =	sand.u32 $0x4000, s31;
	s1 =	sadd.s32 s1, s30  }
0xbb: {  	s0 =	sor.u32 s3, s0;
	s1 =	sshll.u32 s1, $0x11  }
0xbc: {  	s0 =	sor.u32 s1, s0  }
0xbd: {  	s0 =	sadd.s32 $0x8F2B, s0  }
0xbe: {  	[sflag:s0] =	ssyncadd.remote.s32 $0x1  }
0xbf: {  	_ =	sfence.sel $0xFFFF  }
0xc0: {  	[dreg:$0x0] =	wrdreg $0xFFFFFFFF;
	(pc) =	sbr.abs _section_cstart, $3  }
0xc1: {  	[dreg:$0x1] =	wrdreg $0xFFFFFFFF  }
0xc2: {  	_ =	task.clear_ibuf [dreg:s7], $0x2FFFF;
	_ =	strace $0x9FFFFFFF  }
0xc3: {  	(tm) =	ssettm $0x7FFFFFFF  }
tec
execute0_lowered:
.L_overlay_start_1:
0x0: {  	(tag) =	ssettag $0x1  }
0x1: {  	s6 =	rddreg [dreg:$0x0]  }
0x2: {  	s8 =	rddreg [dreg:$0x1]  }
0x3: {  	s2 =	rddreg [dreg:$0x2]  }
0x4: {  	s3 =	srdreg.scid;
	s1 =	stileid.u32  }
0x5: {  	s0 =	rddreg [dreg:$0x3];
	s14 =	simm.s32 $0x0;
	s4 =	sand.u32 $0x1, s3  }
0x6: {  	s5 =	sshll.u32 s1, $0x1;
	s3 =	simm.s32 $0x0;
	s7 =	smul.u32 $0x1388, s1  }
0x7: {  	s31 =	sshll.u32 s1, $0x6;
	s5 =	sor.u32 s4, s5;
	[smem:$0x7FF] =	sst s3  }
0x8: {  	s9 =	ssub.s32 $0x2, s4;
	s12 =	smul.u32 $0x13880, s4;
	s4 =	sadd.s32 $0x16200, s6  }
0x9: {  	s10 =	smul.u32 $0x2800, s5;
	_ =	strace $0x80000047;
	s11 =	sshrl.u32 s9, $0x1  }
0xa: {  	s5 =	sadd.s32 $0x15E00, s6;
	s30 =	sadd.s32 s7, s2;
	s9 =	ssub.s32 s9, s11  }
0xb: {  	s7 =	sadd.s32 s7, s12;
	s11 =	simm.s32 $0x1;
	s12 =	simm.s32 $0x2800  }
0xc: {  	s10 =	sshrl.u32 s10, $0x3;
	s13 =	sshrl.u32 s7, $0x3;
	s9 =	smax.u32 s9, $0x1  }
0xd: {  	s10 =	sadd.s32 s6, s10;
	s6 =	sor.u32 $0x1C01, s31;
	s8 =	sadd.s32 s8, s13  }
0xe: {  	s13 =	simm.s32 $0x7D;
	s7 =	sadd.s32 $0xBE00, s10;
	s10 =	sshrl.u32 s30, $0x3  }
.LBB2_1:
0xf: {  	[spmem:s10], [sflag:s6] =	dma.local [hbm:s5], $0x271  }
0x10: {  	_ =	swait.ge [sflag:s11], $0x271  }
0x11: {  	[sflag:s11] =	ssyncset.done $0x0  }
0x12: {  	[sflag:s11] =	ssyncadd.s32 $0xFFFFFD8F  }
0x13: {  	[tilespmem:s12], [sflag:$0x1] =	stream.linear.gather [hbm4b:s4+s3], $0x3E8, $0x38;
	[tilespmem:$0x3F70] =	vst v63  }
0x14: {  	_ =	swait.ge [sflag:s11], $0x3E8  }
0x15: {  	[sflag:s11] =	ssyncset.done $0x0  }
0x16: {  	[sflag:s11] =	ssyncadd.s32 $0xFFFFFC18  }
0x17: {  	[tilespmem:s3], [sflag:$0x1] =	stream.linear.gather [hbm4b:s7+s3], $0x2800, $0x38;
	[tilespmem:$0x3F70] =	vst v63  }
0x18: {  	_ =	swait.ge [sflag:s11], $0x2800  }
0x19: {  	[sflag:s11] =	ssyncset.done $0x0  }
0x1a: {  	[sflag:s11] =	ssyncadd.s32 $0xFFFFD800  }
0x1b: {  	s15 =	simm.s32 $0x0;
	[bflag:$0x0] =	sbarrier.arrive $0xFFFF  }
0x1c: {  	[spmem:s2] =	stream.indirect.scatter.add.f32 [tilespmem:s12], [sflag:$0x1], $0x8, s15, s13, $0xb8;
	[tilespmem:$0x3F70] =	vst v63  }
0x1d: {  	_ =	swait.ge [sflag:s11], $0x3E8  }
0x1e: {  	s15 =	simm.s32 $0x200;
	[sflag:s11] =	ssyncset.done $0x0  }
.LBB2_2:
0x1f: {  	s16 =	sshra.s32 s15, $0x2;
	[sflag:s11] =	ssyncadd.s32 $0xFFFFFC18;
	p0 =	sne.s32 s15, $0x9E00  }
0x20: {  	[spmem:s2] =	stream.indirect.scatter.add.f32 [tilespmem:s12], [sflag:$0x1], $0x8, s16, s13, $0xb8;
	[tilespmem:$0x3F70] =	vst v63  }
.Ltmp0:
0x21: {  	_ = 	snop;
	(pc) =	sbr.rel @p0 .LBB2_2-.Ltmp0, $4  }
0x22: {  	_ = 	snop  }
0x23: {  	s15 =	sadd.s32 $0x200, s15  }
0x24: {  	_ =	swait.ge [sflag:s11], $0x3E8  }
0x25: {  	[sflag:s11] =	ssyncset.done $0x0  }
0x26: {  	s14 =	sadd.s32 $0x1, s14  }
0x27: {  	[sflag:s11] =	ssyncadd.s32 $0xFFFFFC18;
	p0 =	sne.s32 s14, s9  }
.Ltmp1:
0x28: {  	[bflag:$0x0] =	sbarrier.arrive $0xFFFF;
	(pc) =	sbr.rel @p0 .LBB2_1-.Ltmp1, $4  }
0x29: {  	[hbm:s8], [sflag:s6] =	dma.local [spmem:s10], $0x271  }
0x2a: {  	_ =	swait.ge [sflag:s11], $0x271  }
0x2b: {  	[sflag:s11] =	ssyncset.done $0x0  }
0x2c: {  	[sflag:s11] =	ssyncadd.s32 $0xFFFFFD8F  }
0x2d: {  	_ =	sfence.sel $0x180000  }
0x2e: {  	[bflag:$0x0] =	sbarrier.arrive $0xFFFF  }
0x2f: {  	p0 =	sne.s32 s1, $0x0;
	_ =	strace $0x90000047  }
0x30: {  	s0 =	sadd.s32 @!p0 $0x100000, s0;
	[bflag:$0x2] =	sbarrier.arrive $0xFFFF  }
0x31: {  	[sflag:s0] =	ssyncadd.tile.s32 @!p0 $0x1;
	_ =	shalt  }
.Lfunc_end2:
_tile_overlayer_lowered:
.L_overlay_start_2:
0x32: {  	(tag) =	ssettag $0x2  }
0x33: {  	s0 =	rddreg [dreg:$0x0];
	s2 =	stileid.u32  }
0x34: {  	s1 =	rddreg [dreg:$0x1];
	p0 =	sne.s32 s2, $0x0  }
0x35: {  	s3 =	rddreg [dreg:$0x2];
	[bflag:$0x3] =	sbarrier.arrive $0xFFFF;
	s2 =	simm.s32 @!p0 $0x1C01  }
0x36: {  	[timem:s3], [sflag:s2] =	dma.local @!p0 [hbm:s0], s1  }
0x37: {  	s0 =	simm.s32 @!p0 $0x1  }
0x38: {  	_ =	swait.ge @!p0 [sflag:s0], s1  }
0x39: {  	s1 =	ssub.s32 @!p0 $0x0, s1;
	[sflag:s0] =	ssyncset.done @!p0 $0x0  }
0x3a: {  	[sflag:s0] =	ssyncadd.s32 @!p0 s1  }
0x3b: {  	[bflag:$0x3] =	sbarrier.arrive $0xFFFF  }
0x3c: {  	_ =	shalt  }

</sc_bundles>
